<compile_context>
chip_gen: v7x
topology: tpu7x:2x2x1
jax: 0.10.2.dev20260603
libtpu: 0.0.44.dev20260713+nightly
codegen_flags: <defaults>
</compile_context>

<pallas_src>
import functools

import jax
import jax.numpy as jnp
from jax import lax
from jax.experimental import pallas as pl
from jax.experimental.pallas import tpu as pltpu
from jax.experimental.pallas import tpu_sc as plsc

B, E, N, F = 2, 160000, 10000, 128
NC, NS, L = 2, 16, 16
EPT = E // NS
CH = 80
NCHUNK = EPT // CH
NB = 3
BLK = 80
NBLK = N // BLK
BPT = -(-NBLK // NS)


def _body(msg_hbm, idx_hbm, out_hbm, acc, zbuf, idx_buf, msg_buf,
          sem_flush, sem_idx, sem_load, sem_add):
    b = lax.axis_index("c")
    s = lax.axis_index("s")
    base = b * E + s * EPT

    for j in range(NB):
        pltpu.async_copy(
            idx_hbm.at[pl.ds(base + j * CH, CH)], idx_buf.at[j, 0], sem_idx[j]
        )
        pltpu.async_copy(
            msg_hbm.at[pl.ds(base + j * CH, CH)], msg_buf.at[j], sem_load[j]
        )

    def zrow(i, carry):
        for c0 in range(F // L):
            zbuf[i, pl.ds(c0 * L, L)] = jnp.zeros((L,), jnp.float32)
        return carry

    lax.fori_loop(0, BLK, zrow, 0)

    def zblk(k, carry):
        blk = s + k * NS

        @pl.when(blk < NBLK)
        def _():
            pltpu.sync_copy(zbuf, acc.at[pl.ds(blk * BLK, BLK)])

        return carry

    lax.fori_loop(0, BPT, zblk, 0)
    plsc.subcore_barrier()

    def _step(j, c, refill):
        off = base + c * CH
        pltpu.make_async_copy(
            idx_hbm.at[pl.ds(off, CH)], idx_buf.at[j, 0], sem_idx[j]
        ).wait()
        pltpu.make_async_copy(
            msg_hbm.at[pl.ds(off, CH)], msg_buf.at[j], sem_load[j]
        ).wait()
        pltpu.async_copy(
            msg_buf.at[j], acc.at[idx_buf.at[j, 0]], sem_add[j], add=True
        ).wait()
        if refill:
            pltpu.async_copy(
                idx_hbm.at[pl.ds(off + NB * CH, CH)], idx_buf.at[j, 0],
                sem_idx[j],
            )
            pltpu.async_copy(
                msg_hbm.at[pl.ds(off + NB * CH, CH)], msg_buf.at[j],
                sem_load[j],
            )

    NFULL = (NCHUNK - NB) // NB
    def group(g, carry):
        for j in range(NB):
            _step(j, g * NB + j, True)
        return carry

    lax.fori_loop(0, NFULL, group, 0)
    for c in range(NFULL * NB, NCHUNK):
        _step(c % NB, c, c + NB < NCHUNK)

    plsc.subcore_barrier()

    for k in range(BPT):
        blk = s + k * NS

        @pl.when(blk < NBLK)
        def _():
            pltpu.async_copy(
                acc.at[pl.ds(blk * BLK, BLK)],
                out_hbm.at[pl.ds(b * N + blk * BLK, BLK)],
                sem_flush,
            )

    def fdrain(k, carry):
        blk = s + k * NS

        @pl.when(blk < NBLK)
        def _():
            pltpu.make_async_copy(
                acc.at[pl.ds(0, BLK)], out_hbm.at[pl.ds(0, BLK)], sem_flush
            ).wait()

        return carry

    lax.fori_loop(0, BPT, fdrain, 0)


_scatter_add = functools.partial(
    pl.kernel,
    out_type=jax.ShapeDtypeStruct((B * N, F), jnp.float32),
    mesh=plsc.VectorSubcoreMesh(core_axis_name="c", subcore_axis_name="s"),
    scratch_types=[
        pltpu.VMEM_SHARED((N, F), jnp.float32),
        pltpu.VMEM((BLK, F), jnp.float32),
        pltpu.VMEM((NB, 1, CH), jnp.int32),
        pltpu.VMEM((NB, CH, F), jnp.float32),
        pltpu.SemaphoreType.DMA,
        [pltpu.SemaphoreType.DMA] * NB,
        [pltpu.SemaphoreType.DMA] * NB,
        [pltpu.SemaphoreType.DMA] * NB,
    ],
)(_body)


def kernel(msg_vectors, start_indices, h_v):
    del h_v
    msg2 = msg_vectors.reshape(B * E, F)
    idx1 = start_indices.reshape(B * E).astype(jnp.int32)
    out = _scatter_add(msg2, idx1)
    return out.reshape(B, N, F)

# --- scband reference (transcript-rebuilt; emitter-appended) ---
"""Pipeline reference for scband-graph-aggregation-layer-61710090109692 (READ-ONLY COPY).

The authoritative reference and input builder live on the scoring server;
editing this copy changes nothing except your own understanding.
"""

import jax, jax.numpy as jnp
import numpy as np


def setup_inputs(seed: int = 0) -> dict:
    key = jax.random.key(seed)
    k1, k2, k3 = jax.random.split(key, 3)
    B, E, N, F = 2, 160000, 10000, 128
    msg_vectors = jax.random.normal(k1, (B, E, F), dtype=jnp.float32)
    start_indices = jax.random.randint(k2, (B, E), 0, N, dtype=jnp.int64)
    h_v = jax.random.normal(k3, (B, N, F), dtype=jnp.float32)
    return {"msg_vectors": msg_vectors, "start_indices": start_indices, "h_v": h_v}


def reference(msg_vectors, start_indices, h_v):
    # Faithful translation of tf.scatter_nd with (batch, node) indices:
    # duplicate indices accumulate (sum), missing indices stay zero.
    B, E, F = msg_vectors.shape
    N = h_v.shape[1]
    batch_idx = jnp.broadcast_to(jnp.arange(B)[:, None], (B, E))
    out = jnp.zeros((B, N, F), dtype=msg_vectors.dtype)
    m_agg = out.at[batch_idx.reshape(-1), start_indices.reshape(-1)].add(
        msg_vectors.reshape(-1, F)
    )
    return m_agg

if __name__ == "__main__":
    import jax
    _d = setup_inputs()
    print(jax.jit(kernel)(*tuple(_d.values())))

</pallas_src>

<mosaic_0001>
#map = affine_map<(d0, d1) -> (0, 0)>
#map1 = affine_map<(d0, d1) -> (0)>
module attributes {stable_mosaic.version = 14 : i64} {
  func.func @_body(%arg0: i32, %arg1: i32, %arg2: memref<320000x128xf32, #tpu.memory_space<hbm>>, %arg3: memref<320000xi32, #tpu.memory_space<hbm>>, %arg4: memref<20000x128xf32, #tpu.memory_space<hbm>>, %arg5: memref<10000x128xf32, #tpu.memory_space<vmem_shared>>, %arg6: memref<80x128xf32, #tpu.memory_space<vmem>>, %arg7: memref<3x1x80xi32, #tpu.memory_space<vmem>>, %arg8: memref<3x80x128xf32, #tpu.memory_space<vmem>>, %arg9: memref<!tpu.dma_semaphore, #tpu.memory_space<semaphore_mem>>, %arg10: memref<!tpu.dma_semaphore, #tpu.memory_space<semaphore_mem>>, %arg11: memref<!tpu.dma_semaphore, #tpu.memory_space<semaphore_mem>>, %arg12: memref<!tpu.dma_semaphore, #tpu.memory_space<semaphore_mem>>, %arg13: memref<!tpu.dma_semaphore, #tpu.memory_space<semaphore_mem>>, %arg14: memref<!tpu.dma_semaphore, #tpu.memory_space<semaphore_mem>>, %arg15: memref<!tpu.dma_semaphore, #tpu.memory_space<semaphore_mem>>, %arg16: memref<!tpu.dma_semaphore, #tpu.memory_space<semaphore_mem>>, %arg17: memref<!tpu.dma_semaphore, #tpu.memory_space<semaphore_mem>>, %arg18: memref<!tpu.dma_semaphore, #tpu.memory_space<semaphore_mem>>) attributes {dimension_semantics = [#tpu.dimension_semantics<core_parallel>, #tpu.dimension_semantics<subcore_parallel>], iteration_bounds = array<i64: 2, 16>, scalar_prefetch = 0 : i64, scratch_operands = 14 : i64, tpu.core_type = #tpu.core_type<sc_vector_subcore>, window_params = [{transform_indices = #map}, {transform_indices = #map1}, {transform_indices = #map}]} {
    %mul3A = arith.constant 160000 : i32
    %mul3A_0 = arith.muli %arg0, %mul3A : i32
    %mul3A_1 = arith.constant 10000 : i32
    %mul3A_2 = arith.muli %arg1, %mul3A_1 : i32
    %add3A = arith.addi %mul3A_0, %mul3A_2 : i32
    %add3A_3 = arith.constant 0 : i32
    %add3A_4 = arith.addi %add3A, %add3A_3 : i32
    %dma_start3A = arith.constant 0 : i32
    %dma_start3A_5 = arith.constant 0 : i32
    %dma_start3A_6 = arith.constant 0 : i32
    %dma_start3A_7 = tpu.memref_slice %arg7[%dma_start3A, %dma_start3A_5, %dma_start3A_6] : memref<3x1x80xi32, #tpu.memory_space<vmem>> -> memref<1x1x80xi32, #tpu.memory_space<vmem>>
    %dma_start3A_8 = tpu.memref_squeeze %dma_start3A_7 : memref<1x1x80xi32, #tpu.memory_space<vmem>> -> memref<80xi32, #tpu.memory_space<vmem>>
    %dma_start3A_9 = tpu.memref_slice %arg3[%add3A_4] : memref<320000xi32, #tpu.memory_space<hbm>> -> memref<80xi32, #tpu.memory_space<hbm>>
    %dma_start3A_10 = arith.constant 0 : i32
    %dma_start3A_11 = tpu.memref_slice %arg7[%dma_start3A, %dma_start3A_5, %dma_start3A_10] : memref<3x1x80xi32, #tpu.memory_space<vmem>> -> memref<1x1x80xi32, #tpu.memory_space<vmem>>
    %dma_start3A_12 = tpu.memref_squeeze %dma_start3A_11 : memref<1x1x80xi32, #tpu.memory_space<vmem>> -> memref<80xi32, #tpu.memory_space<vmem>>
    %dma_start3A_13 = tpu.memref_slice %arg3[%add3A_4] : memref<320000xi32, #tpu.memory_space<hbm>> -> memref<80xi32, #tpu.memory_space<hbm>>
    tpu.enqueue_dma source(%dma_start3A_13 : memref<80xi32, #tpu.memory_space<hbm>>) target(%dma_start3A_12 : memref<80xi32, #tpu.memory_space<vmem>>) target_semaphore(%arg10 : memref<!tpu.dma_semaphore, #tpu.memory_space<semaphore_mem>>)
    %add3A_14 = arith.constant 0 : i32
    %add3A_15 = arith.addi %add3A, %add3A_14 : i32
    %dma_start3A_16 = arith.constant 0 : i32
    %dma_start3A_17 = arith.constant 0 : i32
    %dma_start3A_18 = arith.constant 0 : i32
    %dma_start3A_19 = tpu.memref_slice %arg8[%dma_start3A_16, %dma_start3A_17, %dma_start3A_18] : memref<3x80x128xf32, #tpu.memory_space<vmem>> -> memref<1x80x128xf32, #tpu.memory_space<vmem>>
    %dma_start3A_20 = tpu.memref_squeeze %dma_start3A_19 : memref<1x80x128xf32, #tpu.memory_space<vmem>> -> memref<80x128xf32, #tpu.memory_space<vmem>>
    %dma_start3A_21 = arith.constant 0 : i32
    %dma_start3A_22 = tpu.memref_slice %arg2[%add3A_15, %dma_start3A_21] : memref<320000x128xf32, #tpu.memory_space<hbm>> -> memref<80x128xf32, #tpu.memory_space<hbm>>
    %dma_start3A_23 = arith.constant 0 : i32
    %dma_start3A_24 = arith.constant 0 : i32
    %dma_start3A_25 = tpu.memref_slice %arg8[%dma_start3A_16, %dma_start3A_23, %dma_start3A_24] : memref<3x80x128xf32, #tpu.memory_space<vmem>> -> memref<1x80x128xf32, #tpu.memory_space<vmem>>
    %dma_start3A_26 = tpu.memref_squeeze %dma_start3A_25 : memref<1x80x128xf32, #tpu.memory_space<vmem>> -> memref<80x128xf32, #tpu.memory_space<vmem>>
    %dma_start3A_27 = arith.constant 0 : i32
    %dma_start3A_28 = tpu.memref_slice %arg2[%add3A_15, %dma_start3A_27] : memref<320000x128xf32, #tpu.memory_space<hbm>> -> memref<80x128xf32, #tpu.memory_space<hbm>>
    tpu.enqueue_dma source(%dma_start3A_28 : memref<80x128xf32, #tpu.memory_space<hbm>>) target(%dma_start3A_26 : memref<80x128xf32, #tpu.memory_space<vmem>>) target_semaphore(%arg13 : memref<!tpu.dma_semaphore, #tpu.memory_space<semaphore_mem>>)
    %add3A_29 = arith.constant 80 : i32
    %add3A_30 = arith.addi %add3A, %add3A_29 : i32
    %dma_start3A_31 = arith.constant 1 : i32
    %dma_start3A_32 = arith.constant 0 : i32
    %dma_start3A_33 = arith.constant 0 : i32
    %dma_start3A_34 = tpu.memref_slice %arg7[%dma_start3A_31, %dma_start3A_32, %dma_start3A_33] : memref<3x1x80xi32, #tpu.memory_space<vmem>> -> memref<1x1x80xi32, #tpu.memory_space<vmem>>
    %dma_start3A_35 = tpu.memref_squeeze %dma_start3A_34 : memref<1x1x80xi32, #tpu.memory_space<vmem>> -> memref<80xi32, #tpu.memory_space<vmem>>
    %dma_start3A_36 = tpu.memref_slice %arg3[%add3A_30] : memref<320000xi32, #tpu.memory_space<hbm>> -> memref<80xi32, #tpu.memory_space<hbm>>
    %dma_start3A_37 = arith.constant 0 : i32
    %dma_start3A_38 = tpu.memref_slice %arg7[%dma_start3A_31, %dma_start3A_32, %dma_start3A_37] : memref<3x1x80xi32, #tpu.memory_space<vmem>> -> memref<1x1x80xi32, #tpu.memory_space<vmem>>
    %dma_start3A_39 = tpu.memref_squeeze %dma_start3A_38 : memref<1x1x80xi32, #tpu.memory_space<vmem>> -> memref<80xi32, #tpu.memory_space<vmem>>
    %dma_start3A_40 = tpu.memref_slice %arg3[%add3A_30] : memref<320000xi32, #tpu.memory_space<hbm>> -> memref<80xi32, #tpu.memory_space<hbm>>
    tpu.enqueue_dma source(%dma_start3A_40 : memref<80xi32, #tpu.memory_space<hbm>>) target(%dma_start3A_39 : memref<80xi32, #tpu.memory_space<vmem>>) target_semaphore(%arg11 : memref<!tpu.dma_semaphore, #tpu.memory_space<semaphore_mem>>)
    %add3A_41 = arith.constant 80 : i32
    %add3A_42 = arith.addi %add3A, %add3A_41 : i32
    %dma_start3A_43 = arith.constant 1 : i32
    %dma_start3A_44 = arith.constant 0 : i32
    %dma_start3A_45 = arith.constant 0 : i32
    %dma_start3A_46 = tpu.memref_slice %arg8[%dma_start3A_43, %dma_start3A_44, %dma_start3A_45] : memref<3x80x128xf32, #tpu.memory_space<vmem>> -> memref<1x80x128xf32, #tpu.memory_space<vmem>>
    %dma_start3A_47 = tpu.memref_squeeze %dma_start3A_46 : memref<1x80x128xf32, #tpu.memory_space<vmem>> -> memref<80x128xf32, #tpu.memory_space<vmem>>
    %dma_start3A_48 = arith.constant 0 : i32
    %dma_start3A_49 = tpu.memref_slice %arg2[%add3A_42, %dma_start3A_48] : memref<320000x128xf32, #tpu.memory_space<hbm>> -> memref<80x128xf32, #tpu.memory_space<hbm>>
    %dma_start3A_50 = arith.constant 0 : i32
    %dma_start3A_51 = arith.constant 0 : i32
    %dma_start3A_52 = tpu.memref_slice %arg8[%dma_start3A_43, %dma_start3A_50, %dma_start3A_51] : memref<3x80x128xf32, #tpu.memory_space<vmem>> -> memref<1x80x128xf32, #tpu.memory_space<vmem>>
    %dma_start3A_53 = tpu.memref_squeeze %dma_start3A_52 : memref<1x80x128xf32, #tpu.memory_space<vmem>> -> memref<80x128xf32, #tpu.memory_space<vmem>>
    %dma_start3A_54 = arith.constant 0 : i32
    %dma_start3A_55 = tpu.memref_slice %arg2[%add3A_42, %dma_start3A_54] : memref<320000x128xf32, #tpu.memory_space<hbm>> -> memref<80x128xf32, #tpu.memory_space<hbm>>
    tpu.enqueue_dma source(%dma_start3A_55 : memref<80x128xf32, #tpu.memory_space<hbm>>) target(%dma_start3A_53 : memref<80x128xf32, #tpu.memory_space<vmem>>) target_semaphore(%arg14 : memref<!tpu.dma_semaphore, #tpu.memory_space<semaphore_mem>>)
    %add3A_56 = arith.constant 160 : i32
    %add3A_57 = arith.addi %add3A, %add3A_56 : i32
    %dma_start3A_58 = arith.constant 2 : i32
    %dma_start3A_59 = arith.constant 0 : i32
    %dma_start3A_60 = arith.constant 0 : i32
    %dma_start3A_61 = tpu.memref_slice %arg7[%dma_start3A_58, %dma_start3A_59, %dma_start3A_60] : memref<3x1x80xi32, #tpu.memory_space<vmem>> -> memref<1x1x80xi32, #tpu.memory_space<vmem>>
    %dma_start3A_62 = tpu.memref_squeeze %dma_start3A_61 : memref<1x1x80xi32, #tpu.memory_space<vmem>> -> memref<80xi32, #tpu.memory_space<vmem>>
    %dma_start3A_63 = tpu.memref_slice %arg3[%add3A_57] : memref<320000xi32, #tpu.memory_space<hbm>> -> memref<80xi32, #tpu.memory_space<hbm>>
    %dma_start3A_64 = arith.constant 0 : i32
    %dma_start3A_65 = tpu.memref_slice %arg7[%dma_start3A_58, %dma_start3A_59, %dma_start3A_64] : memref<3x1x80xi32, #tpu.memory_space<vmem>> -> memref<1x1x80xi32, #tpu.memory_space<vmem>>
    %dma_start3A_66 = tpu.memref_squeeze %dma_start3A_65 : memref<1x1x80xi32, #tpu.memory_space<vmem>> -> memref<80xi32, #tpu.memory_space<vmem>>
    %dma_start3A_67 = tpu.memref_slice %arg3[%add3A_57] : memref<320000xi32, #tpu.memory_space<hbm>> -> memref<80xi32, #tpu.memory_space<hbm>>
    tpu.enqueue_dma source(%dma_start3A_67 : memref<80xi32, #tpu.memory_space<hbm>>) target(%dma_start3A_66 : memref<80xi32, #tpu.memory_space<vmem>>) target_semaphore(%arg12 : memref<!tpu.dma_semaphore, #tpu.memory_space<semaphore_mem>>)
    %add3A_68 = arith.constant 160 : i32
    %add3A_69 = arith.addi %add3A, %add3A_68 : i32
    %dma_start3A_70 = arith.constant 2 : i32
    %dma_start3A_71 = arith.constant 0 : i32
    %dma_start3A_72 = arith.constant 0 : i32
    %dma_start3A_73 = tpu.memref_slice %arg8[%dma_start3A_70, %dma_start3A_71, %dma_start3A_72] : memref<3x80x128xf32, #tpu.memory_space<vmem>> -> memref<1x80x128xf32, #tpu.memory_space<vmem>>
    %dma_start3A_74 = tpu.memref_squeeze %dma_start3A_73 : memref<1x80x128xf32, #tpu.memory_space<vmem>> -> memref<80x128xf32, #tpu.memory_space<vmem>>
    %dma_start3A_75 = arith.constant 0 : i32
    %dma_start3A_76 = tpu.memref_slice %arg2[%add3A_69, %dma_start3A_75] : memref<320000x128xf32, #tpu.memory_space<hbm>> -> memref<80x128xf32, #tpu.memory_space<hbm>>
    %dma_start3A_77 = arith.constant 0 : i32
    %dma_start3A_78 = arith.constant 0 : i32
    %dma_start3A_79 = tpu.memref_slice %arg8[%dma_start3A_70, %dma_start3A_77, %dma_start3A_78] : memref<3x80x128xf32, #tpu.memory_space<vmem>> -> memref<1x80x128xf32, #tpu.memory_space<vmem>>
    %dma_start3A_80 = tpu.memref_squeeze %dma_start3A_79 : memref<1x80x128xf32, #tpu.memory_space<vmem>> -> memref<80x128xf32, #tpu.memory_space<vmem>>
    %dma_start3A_81 = arith.constant 0 : i32
    %dma_start3A_82 = tpu.memref_slice %arg2[%add3A_69, %dma_start3A_81] : memref<320000x128xf32, #tpu.memory_space<hbm>> -> memref<80x128xf32, #tpu.memory_space<hbm>>
    tpu.enqueue_dma source(%dma_start3A_82 : memref<80x128xf32, #tpu.memory_space<hbm>>) target(%dma_start3A_80 : memref<80x128xf32, #tpu.memory_space<vmem>>) target_semaphore(%arg15 : memref<!tpu.dma_semaphore, #tpu.memory_space<semaphore_mem>>)
    %scan3A = arith.constant 0 : i32
    %scan3A_83 = arith.constant 0 : i32
    %scan3A_84 = arith.constant 80 : i32
    %scan3A_85 = arith.addi %scan3A_83, %scan3A_84 : i32
    %scan3A_86 = arith.constant 1 : i32
    scf.for %scan3A_468 = %scan3A_83 to %scan3A_85 step %scan3A_86  : i32 {
      %broadcast_in_dim3A = arith.constant 0.000000e+00 : f32
      %broadcast_in_dim3A_469 = vector.broadcast %broadcast_in_dim3A : f32 to vector<16xf32>
      %swap3A = arith.index_cast %scan3A_468 : i32 to index
      %swap3A_470 = arith.constant 0 : index
      %swap3A_471 = tpu.vector_load %arg6[%swap3A, %swap3A_470] {strides = array<i32>} : memref<80x128xf32, #tpu.memory_space<vmem>>, vector<1x16xf32>,
      %swap3A_472 = vector.shape_cast %swap3A_471 : vector<1x16xf32> to vector<16xf32>
      %swap3A_473 = vector.shape_cast %broadcast_in_dim3A_469 : vector<16xf32> to vector<1x16xf32>
      tpu.vector_store %arg6[%swap3A, %swap3A_470], %swap3A_473 {strides = array<i32>} : memref<80x128xf32, #tpu.memory_space<vmem>>, vector<1x16xf32>,
      %broadcast_in_dim3A_474 = arith.constant 0.000000e+00 : f32
      %broadcast_in_dim3A_475 = vector.broadcast %broadcast_in_dim3A_474 : f32 to vector<16xf32>
      %swap3A_476 = arith.index_cast %scan3A_468 : i32 to index
      %swap3A_477 = arith.constant 16 : index
      %swap3A_478 = tpu.vector_load %arg6[%swap3A_476, %swap3A_477] {strides = array<i32>} : memref<80x128xf32, #tpu.memory_space<vmem>>, vector<1x16xf32>,
      %swap3A_479 = vector.shape_cast %swap3A_478 : vector<1x16xf32> to vector<16xf32>
      %swap3A_480 = vector.shape_cast %broadcast_in_dim3A_475 : vector<16xf32> to vector<1x16xf32>
      tpu.vector_store %arg6[%swap3A_476, %swap3A_477], %swap3A_480 {strides = array<i32>} : memref<80x128xf32, #tpu.memory_space<vmem>>, vector<1x16xf32>,
      %broadcast_in_dim3A_481 = arith.constant 0.000000e+00 : f32
      %broadcast_in_dim3A_482 = vector.broadcast %broadcast_in_dim3A_481 : f32 to vector<16xf32>
      %swap3A_483 = arith.index_cast %scan3A_468 : i32 to index
      %swap3A_484 = arith.constant 32 : index
      %swap3A_485 = tpu.vector_load %arg6[%swap3A_483, %swap3A_484] {strides = array<i32>} : memref<80x128xf32, #tpu.memory_space<vmem>>, vector<1x16xf32>,
      %swap3A_486 = vector.shape_cast %swap3A_485 : vector<1x16xf32> to vector<16xf32>
      %swap3A_487 = vector.shape_cast %broadcast_in_dim3A_482 : vector<16xf32> to vector<1x16xf32>
      tpu.vector_store %arg6[%swap3A_483, %swap3A_484], %swap3A_487 {strides = array<i32>} : memref<80x128xf32, #tpu.memory_space<vmem>>, vector<1x16xf32>,
      %broadcast_in_dim3A_488 = arith.constant 0.000000e+00 : f32
      %broadcast_in_dim3A_489 = vector.broadcast %broadcast_in_dim3A_488 : f32 to vector<16xf32>
      %swap3A_490 = arith.index_cast %scan3A_468 : i32 to index
      %swap3A_491 = arith.constant 48 : index
      %swap3A_492 = tpu.vector_load %arg6[%swap3A_490, %swap3A_491] {strides = array<i32>} : memref<80x128xf32, #tpu.memory_space<vmem>>, vector<1x16xf32>,
      %swap3A_493 = vector.shape_cast %swap3A_492 : vector<1x16xf32> to vector<16xf32>
      %swap3A_494 = vector.shape_cast %broadcast_in_dim3A_489 : vector<16xf32> to vector<1x16xf32>
      tpu.vector_store %arg6[%swap3A_490, %swap3A_491], %swap3A_494 {strides = array<i32>} : memref<80x128xf32, #tpu.memory_space<vmem>>, vector<1x16xf32>,
      %broadcast_in_dim3A_495 = arith.constant 0.000000e+00 : f32
      %broadcast_in_dim3A_496 = vector.broadcast %broadcast_in_dim3A_495 : f32 to vector<16xf32>
      %swap3A_497 = arith.index_cast %scan3A_468 : i32 to index
      %swap3A_498 = arith.constant 64 : index
      %swap3A_499 = tpu.vector_load %arg6[%swap3A_497, %swap3A_498] {strides = array<i32>} : memref<80x128xf32, #tpu.memory_space<vmem>>, vector<1x16xf32>,
      %swap3A_500 = vector.shape_cast %swap3A_499 : vector<1x16xf32> to vector<16xf32>
      %swap3A_501 = vector.shape_cast %broadcast_in_dim3A_496 : vector<16xf32> to vector<1x16xf32>
      tpu.vector_store %arg6[%swap3A_497, %swap3A_498], %swap3A_501 {strides = array<i32>} : memref<80x128xf32, #tpu.memory_space<vmem>>, vector<1x16xf32>,
      %broadcast_in_dim3A_502 = arith.constant 0.000000e+00 : f32
      %broadcast_in_dim3A_503 = vector.broadcast %broadcast_in_dim3A_502 : f32 to vector<16xf32>
      %swap3A_504 = arith.index_cast %scan3A_468 : i32 to index
      %swap3A_505 = arith.constant 80 : index
      %swap3A_506 = tpu.vector_load %arg6[%swap3A_504, %swap3A_505] {strides = array<i32>} : memref<80x128xf32, #tpu.memory_space<vmem>>, vector<1x16xf32>,
      %swap3A_507 = vector.shape_cast %swap3A_506 : vector<1x16xf32> to vector<16xf32>
      %swap3A_508 = vector.shape_cast %broadcast_in_dim3A_503 : vector<16xf32> to vector<1x16xf32>
      tpu.vector_store %arg6[%swap3A_504, %swap3A_505], %swap3A_508 {strides = array<i32>} : memref<80x128xf32, #tpu.memory_space<vmem>>, vector<1x16xf32>,
      %broadcast_in_dim3A_509 = arith.constant 0.000000e+00 : f32
      %broadcast_in_dim3A_510 = vector.broadcast %broadcast_in_dim3A_509 : f32 to vector<16xf32>
      %swap3A_511 = arith.index_cast %scan3A_468 : i32 to index
      %swap3A_512 = arith.constant 96 : index
      %swap3A_513 = tpu.vector_load %arg6[%swap3A_511, %swap3A_512] {strides = array<i32>} : memref<80x128xf32, #tpu.memory_space<vmem>>, vector<1x16xf32>,
      %swap3A_514 = vector.shape_cast %swap3A_513 : vector<1x16xf32> to vector<16xf32>
      %swap3A_515 = vector.shape_cast %broadcast_in_dim3A_510 : vector<16xf32> to vector<1x16xf32>
      tpu.vector_store %arg6[%swap3A_511, %swap3A_512], %swap3A_515 {strides = array<i32>} : memref<80x128xf32, #tpu.memory_space<vmem>>, vector<1x16xf32>,
      %broadcast_in_dim3A_516 = arith.constant 0.000000e+00 : f32
      %broadcast_in_dim3A_517 = vector.broadcast %broadcast_in_dim3A_516 : f32 to vector<16xf32>
      %swap3A_518 = arith.index_cast %scan3A_468 : i32 to index
      %swap3A_519 = arith.constant 112 : index
      %swap3A_520 = tpu.vector_load %arg6[%swap3A_518, %swap3A_519] {strides = array<i32>} : memref<80x128xf32, #tpu.memory_space<vmem>>, vector<1x16xf32>,
      %swap3A_521 = vector.shape_cast %swap3A_520 : vector<1x16xf32> to vector<16xf32>
      %swap3A_522 = vector.shape_cast %broadcast_in_dim3A_517 : vector<16xf32> to vector<1x16xf32>
      tpu.vector_store %arg6[%swap3A_518, %swap3A_519], %swap3A_522 {strides = array<i32>} : memref<80x128xf32, #tpu.memory_space<vmem>>, vector<1x16xf32>,
    }
    %scan3A_87 = arith.constant 80 : i32
    %scan3A_88 = arith.constant 0 : i32
    %scan3A_89 = arith.constant 0 : i32
    %scan3A_90 = arith.constant 8 : i32
    %scan3A_91 = arith.addi %scan3A_89, %scan3A_90 : i32
    %scan3A_92 = arith.constant 1 : i32
    scf.for %scan3A_468 = %scan3A_89 to %scan3A_91 step %scan3A_92  : i32 {
      %mul3A_469 = arith.constant 16 : i32
      %mul3A_470 = arith.muli %scan3A_468, %mul3A_469 : i32
      %add3A_471 = arith.addi %arg1, %mul3A_470 : i32
      %lt3A_472 = arith.constant 125 : i32
      %lt3A_473 = arith.cmpi slt, %add3A_471, %lt3A_472 : i32
      %convert_element_type3A_474 = arith.extui %lt3A_473 : i1 to i32
      %cond3A_475 = arith.constant 0 : i32
      %cond3A_476 = arith.cmpi ne, %convert_element_type3A_474, %cond3A_475 : i32
      scf.if %cond3A_476 {
        %mul3A_477 = arith.constant 80 : i32
        %mul3A_478 = arith.muli %add3A_471, %mul3A_477 : i32
        "tpu.region"() ({
          %run_scoped3A = tpu.sem_alloc : memref<!tpu.dma_semaphore, #tpu.memory_space<semaphore_mem>>
          %dma_start3A_479 = arith.constant 0 : i32
          %dma_start3A_480 = tpu.memref_slice %arg5[%mul3A_478, %dma_start3A_479] : memref<10000x128xf32, #tpu.memory_space<vmem_shared>> -> memref<80x128xf32, #tpu.memory_space<vmem_shared>>
          %dma_start3A_481 = arith.constant 0 : i32
          %dma_start3A_482 = tpu.memref_slice %arg5[%mul3A_478, %dma_start3A_481] : memref<10000x128xf32, #tpu.memory_space<vmem_shared>> -> memref<80x128xf32, #tpu.memory_space<vmem_shared>>
          tpu.enqueue_dma source(%arg6 : memref<80x128xf32, #tpu.memory_space<vmem>>) target(%dma_start3A_482 : memref<80x128xf32, #tpu.memory_space<vmem_shared>>) target_semaphore(%run_scoped3A : memref<!tpu.dma_semaphore, #tpu.memory_space<semaphore_mem>>)
          %dma_wait3A_483 = arith.constant 0 : i32
          %dma_wait3A_484 = tpu.memref_slice %arg5[%mul3A_478, %dma_wait3A_483] : memref<10000x128xf32, #tpu.memory_space<vmem_shared>> -> memref<80x128xf32, #tpu.memory_space<vmem_shared>>
          %dma_wait3A_485 = arith.constant 0 : i32
          %dma_wait3A_486 = tpu.memref_slice %arg5[%mul3A_478, %dma_wait3A_485] : memref<10000x128xf32, #tpu.memory_space<vmem_shared>> -> memref<80x128xf32, #tpu.memory_space<vmem_shared>>
          tpu.wait_dma2 semaphore(%run_scoped3A : memref<!tpu.dma_semaphore, #tpu.memory_space<semaphore_mem>>) src(%arg6 : memref<80x128xf32, #tpu.memory_space<vmem>>) dst(%dma_wait3A_486 : memref<80x128xf32, #tpu.memory_space<vmem_shared>>)
          tpu.yield
        }) : () -> ()
      } else {
      }
    }
    %scan3A_93 = arith.constant 8 : i32
    %barrier3A = arith.constant 0 : index
    tpu.barrier barrier_id(%barrier3A)
    %scan3A_94 = arith.constant 0 : i32
    %scan3A_95 = arith.constant 0 : i32
    %scan3A_96 = arith.constant 40 : i32
    %scan3A_97 = arith.addi %scan3A_95, %scan3A_96 : i32
    %scan3A_98 = arith.constant 1 : i32
    scf.for %scan3A_468 = %scan3A_95 to %scan3A_97 step %scan3A_98  : i32 {
      %mul3A_469 = arith.constant 3 : i32
      %mul3A_470 = arith.muli %scan3A_468, %mul3A_469 : i32
      %add3A_471 = arith.constant 0 : i32
      %add3A_472 = arith.addi %mul3A_470, %add3A_471 : i32
      %mul3A_473 = arith.constant 80 : i32
      %mul3A_474 = arith.muli %add3A_472, %mul3A_473 : i32
      %add3A_475 = arith.addi %add3A, %mul3A_474 : i32
      %dma_wait3A_476 = arith.constant 0 : i32
      %dma_wait3A_477 = arith.constant 0 : i32
      %dma_wait3A_478 = arith.constant 0 : i32
      %dma_wait3A_479 = tpu.memref_slice %arg7[%dma_wait3A_476, %dma_wait3A_477, %dma_wait3A_478] : memref<3x1x80xi32, #tpu.memory_space<vmem>> -> memref<1x1x80xi32, #tpu.memory_space<vmem>>
      %dma_wait3A_480 = tpu.memref_squeeze %dma_wait3A_479 : memref<1x1x80xi32, #tpu.memory_space<vmem>> -> memref<80xi32, #tpu.memory_space<vmem>>
      %dma_wait3A_481 = tpu.memref_slice %arg3[%add3A_475] : memref<320000xi32, #tpu.memory_space<hbm>> -> memref<80xi32, #tpu.memory_space<hbm>>
      %dma_wait3A_482 = arith.constant 0 : i32
      %dma_wait3A_483 = tpu.memref_slice %arg7[%dma_wait3A_476, %dma_wait3A_477, %dma_wait3A_482] : memref<3x1x80xi32, #tpu.memory_space<vmem>> -> memref<1x1x80xi32, #tpu.memory_space<vmem>>
      %dma_wait3A_484 = tpu.memref_squeeze %dma_wait3A_483 : memref<1x1x80xi32, #tpu.memory_space<vmem>> -> memref<80xi32, #tpu.memory_space<vmem>>
      %dma_wait3A_485 = tpu.memref_slice %arg3[%add3A_475] : memref<320000xi32, #tpu.memory_space<hbm>> -> memref<80xi32, #tpu.memory_space<hbm>>
      tpu.wait_dma2 semaphore(%arg10 : memref<!tpu.dma_semaphore, #tpu.memory_space<semaphore_mem>>) src(%dma_wait3A_485 : memref<80xi32, #tpu.memory_space<hbm>>) dst(%dma_wait3A_484 : memref<80xi32, #tpu.memory_space<vmem>>)
      %dma_wait3A_486 = arith.constant 0 : i32
      %dma_wait3A_487 = arith.constant 0 : i32
      %dma_wait3A_488 = arith.constant 0 : i32
      %dma_wait3A_489 = tpu.memref_slice %arg8[%dma_wait3A_486, %dma_wait3A_487, %dma_wait3A_488] : memref<3x80x128xf32, #tpu.memory_space<vmem>> -> memref<1x80x128xf32, #tpu.memory_space<vmem>>
      %dma_wait3A_490 = tpu.memref_squeeze %dma_wait3A_489 : memref<1x80x128xf32, #tpu.memory_space<vmem>> -> memref<80x128xf32, #tpu.memory_space<vmem>>
      %dma_wait3A_491 = arith.constant 0 : i32
      %dma_wait3A_492 = tpu.memref_slice %arg2[%add3A_475, %dma_wait3A_491] : memref<320000x128xf32, #tpu.memory_space<hbm>> -> memref<80x128xf32, #tpu.memory_space<hbm>>
      %dma_wait3A_493 = arith.constant 0 : i32
      %dma_wait3A_494 = arith.constant 0 : i32
      %dma_wait3A_495 = tpu.memref_slice %arg8[%dma_wait3A_486, %dma_wait3A_493, %dma_wait3A_494] : memref<3x80x128xf32, #tpu.memory_space<vmem>> -> memref<1x80x128xf32, #tpu.memory_space<vmem>>
      %dma_wait3A_496 = tpu.memref_squeeze %dma_wait3A_495 : memref<1x80x128xf32, #tpu.memory_space<vmem>> -> memref<80x128xf32, #tpu.memory_space<vmem>>
      %dma_wait3A_497 = arith.constant 0 : i32
      %dma_wait3A_498 = tpu.memref_slice %arg2[%add3A_475, %dma_wait3A_497] : memref<320000x128xf32, #tpu.memory_space<hbm>> -> memref<80x128xf32, #tpu.memory_space<hbm>>
      tpu.wait_dma2 semaphore(%arg13 : memref<!tpu.dma_semaphore, #tpu.memory_space<semaphore_mem>>) src(%dma_wait3A_498 : memref<80x128xf32, #tpu.memory_space<hbm>>) dst(%dma_wait3A_496 : memref<80x128xf32, #tpu.memory_space<vmem>>)
      %dma_start3A_499 = arith.constant 0 : i32
      %dma_start3A_500 = arith.constant 0 : i32
      %dma_start3A_501 = arith.constant 0 : i32
      %dma_start3A_502 = arith.constant 0 : i32
      %dma_start3A_503 = arith.constant 0 : i32
      %dma_start3A_504 = tpu.memref_slice %arg8[%dma_start3A_499, %dma_start3A_502, %dma_start3A_503] : memref<3x80x128xf32, #tpu.memory_space<vmem>> -> memref<1x80x128xf32, #tpu.memory_space<vmem>>
      %dma_start3A_505 = tpu.memref_squeeze %dma_start3A_504 : memref<1x80x128xf32, #tpu.memory_space<vmem>> -> memref<80x128xf32, #tpu.memory_space<vmem>>
      %dma_start3A_506 = arith.constant 0 : i32
      %dma_start3A_507 = tpu.memref_slice %arg7[%dma_start3A_500, %dma_start3A_501, %dma_start3A_506] : memref<3x1x80xi32, #tpu.memory_space<vmem>> -> memref<1x1x80xi32, #tpu.memory_space<vmem>>
      %dma_start3A_508 = tpu.memref_squeeze %dma_start3A_507 : memref<1x1x80xi32, #tpu.memory_space<vmem>> -> memref<80xi32, #tpu.memory_space<vmem>>
      %dma_start3A_509 = arith.constant 0 : i32
      %dma_start3A_510 = arith.constant 0 : i32
      %dma_start3A_511 = tpu.memref_slice %arg5[%dma_start3A_509, %dma_start3A_510] : memref<10000x128xf32, #tpu.memory_space<vmem_shared>> -> memref<10000x128xf32, #tpu.memory_space<vmem_shared>>
      tpu.enqueue_indirect_dma source(%dma_start3A_505 : memref<80x128xf32, #tpu.memory_space<vmem>>) target(%dma_start3A_511 : memref<10000x128xf32, #tpu.memory_space<vmem_shared>>) offsets(%dma_start3A_508 : memref<80xi32, #tpu.memory_space<vmem>>) semaphore(%arg16 : memref<!tpu.dma_semaphore, #tpu.memory_space<semaphore_mem>>) {add = true}
      %dma_wait3A_512 = arith.constant 0 : i32
      %dma_wait3A_513 = arith.constant 0 : i32
      %dma_wait3A_514 = arith.constant 0 : i32
      %dma_wait3A_515 = arith.constant 0 : i32
      %dma_wait3A_516 = arith.constant 0 : i32
      %dma_wait3A_517 = tpu.memref_slice %arg8[%dma_wait3A_512, %dma_wait3A_515, %dma_wait3A_516] : memref<3x80x128xf32, #tpu.memory_space<vmem>> -> memref<1x80x128xf32, #tpu.memory_space<vmem>>
      %dma_wait3A_518 = tpu.memref_squeeze %dma_wait3A_517 : memref<1x80x128xf32, #tpu.memory_space<vmem>> -> memref<80x128xf32, #tpu.memory_space<vmem>>
      %dma_wait3A_519 = arith.constant 0 : i32
      %dma_wait3A_520 = tpu.memref_slice %arg7[%dma_wait3A_513, %dma_wait3A_514, %dma_wait3A_519] : memref<3x1x80xi32, #tpu.memory_space<vmem>> -> memref<1x1x80xi32, #tpu.memory_space<vmem>>
      %dma_wait3A_521 = tpu.memref_squeeze %dma_wait3A_520 : memref<1x1x80xi32, #tpu.memory_space<vmem>> -> memref<80xi32, #tpu.memory_space<vmem>>
      %dma_wait3A_522 = arith.constant 0 : i32
      %dma_wait3A_523 = arith.constant 0 : i32
      %dma_wait3A_524 = tpu.memref_slice %arg5[%dma_wait3A_522, %dma_wait3A_523] : memref<10000x128xf32, #tpu.memory_space<vmem_shared>> -> memref<10000x128xf32, #tpu.memory_space<vmem_shared>>
      tpu.wait_indirect_dma semaphore(%arg16 : memref<!tpu.dma_semaphore, #tpu.memory_space<semaphore_mem>>) src(%dma_wait3A_518 : memref<80x128xf32, #tpu.memory_space<vmem>>) dst(%dma_wait3A_524 : memref<10000x128xf32, #tpu.memory_space<vmem_shared>>)
      %add3A_525 = arith.constant 240 : i32
      %add3A_526 = arith.addi %add3A_475, %add3A_525 : i32
      %dma_start3A_527 = arith.constant 0 : i32
      %dma_start3A_528 = arith.constant 0 : i32
      %dma_start3A_529 = arith.constant 0 : i32
      %dma_start3A_530 = tpu.memref_slice %arg7[%dma_start3A_527, %dma_start3A_528, %dma_start3A_529] : memref<3x1x80xi32, #tpu.memory_space<vmem>> -> memref<1x1x80xi32, #tpu.memory_space<vmem>>
      %dma_start3A_531 = tpu.memref_squeeze %dma_start3A_530 : memref<1x1x80xi32, #tpu.memory_space<vmem>> -> memref<80xi32, #tpu.memory_space<vmem>>
      %dma_start3A_532 = tpu.memref_slice %arg3[%add3A_526] : memref<320000xi32, #tpu.memory_space<hbm>> -> memref<80xi32, #tpu.memory_space<hbm>>
      %dma_start3A_533 = arith.constant 0 : i32
      %dma_start3A_534 = tpu.memref_slice %arg7[%dma_start3A_527, %dma_start3A_528, %dma_start3A_533] : memref<3x1x80xi32, #tpu.memory_space<vmem>> -> memref<1x1x80xi32, #tpu.memory_space<vmem>>
      %dma_start3A_535 = tpu.memref_squeeze %dma_start3A_534 : memref<1x1x80xi32, #tpu.memory_space<vmem>> -> memref<80xi32, #tpu.memory_space<vmem>>
      %dma_start3A_536 = tpu.memref_slice %arg3[%add3A_526] : memref<320000xi32, #tpu.memory_space<hbm>> -> memref<80xi32, #tpu.memory_space<hbm>>
      tpu.enqueue_dma source(%dma_start3A_536 : memref<80xi32, #tpu.memory_space<hbm>>) target(%dma_start3A_535 : memref<80xi32, #tpu.memory_space<vmem>>) target_semaphore(%arg10 : memref<!tpu.dma_semaphore, #tpu.memory_space<semaphore_mem>>)
      %add3A_537 = arith.constant 240 : i32
      %add3A_538 = arith.addi %add3A_475, %add3A_537 : i32
      %dma_start3A_539 = arith.constant 0 : i32
      %dma_start3A_540 = arith.constant 0 : i32
      %dma_start3A_541 = arith.constant 0 : i32
      %dma_start3A_542 = tpu.memref_slice %arg8[%dma_start3A_539, %dma_start3A_540, %dma_start3A_541] : memref<3x80x128xf32, #tpu.memory_space<vmem>> -> memref<1x80x128xf32, #tpu.memory_space<vmem>>
      %dma_start3A_543 = tpu.memref_squeeze %dma_start3A_542 : memref<1x80x128xf32, #tpu.memory_space<vmem>> -> memref<80x128xf32, #tpu.memory_space<vmem>>
      %dma_start3A_544 = arith.constant 0 : i32
      %dma_start3A_545 = tpu.memref_slice %arg2[%add3A_538, %dma_start3A_544] : memref<320000x128xf32, #tpu.memory_space<hbm>> -> memref<80x128xf32, #tpu.memory_space<hbm>>
      %dma_start3A_546 = arith.constant 0 : i32
      %dma_start3A_547 = arith.constant 0 : i32
      %dma_start3A_548 = tpu.memref_slice %arg8[%dma_start3A_539, %dma_start3A_546, %dma_start3A_547] : memref<3x80x128xf32, #tpu.memory_space<vmem>> -> memref<1x80x128xf32, #tpu.memory_space<vmem>>
      %dma_start3A_549 = tpu.memref_squeeze %dma_start3A_548 : memref<1x80x128xf32, #tpu.memory_space<vmem>> -> memref<80x128xf32, #tpu.memory_space<vmem>>
      %dma_start3A_550 = arith.constant 0 : i32
      %dma_start3A_551 = tpu.memref_slice %arg2[%add3A_538, %dma_start3A_550] : memref<320000x128xf32, #tpu.memory_space<hbm>> -> memref<80x128xf32, #tpu.memory_space<hbm>>
      tpu.enqueue_dma source(%dma_start3A_551 : memref<80x128xf32, #tpu.memory_space<hbm>>) target(%dma_start3A_549 : memref<80x128xf32, #tpu.memory_space<vmem>>) target_semaphore(%arg13 : memref<!tpu.dma_semaphore, #tpu.memory_space<semaphore_mem>>)
      %mul3A_552 = arith.constant 3 : i32
      %mul3A_553 = arith.muli %scan3A_468, %mul3A_552 : i32
      %add3A_554 = arith.constant 1 : i32
      %add3A_555 = arith.addi %mul3A_553, %add3A_554 : i32
      %mul3A_556 = arith.constant 80 : i32
      %mul3A_557 = arith.muli %add3A_555, %mul3A_556 : i32
      %add3A_558 = arith.addi %add3A, %mul3A_557 : i32
      %dma_wait3A_559 = arith.constant 1 : i32
      %dma_wait3A_560 = arith.constant 0 : i32
      %dma_wait3A_561 = arith.constant 0 : i32
      %dma_wait3A_562 = tpu.memref_slice %arg7[%dma_wait3A_559, %dma_wait3A_560, %dma_wait3A_561] : memref<3x1x80xi32, #tpu.memory_space<vmem>> -> memref<1x1x80xi32, #tpu.memory_space<vmem>>
      %dma_wait3A_563 = tpu.memref_squeeze %dma_wait3A_562 : memref<1x1x80xi32, #tpu.memory_space<vmem>> -> memref<80xi32, #tpu.memory_space<vmem>>
      %dma_wait3A_564 = tpu.memref_slice %arg3[%add3A_558] : memref<320000xi32, #tpu.memory_space<hbm>> -> memref<80xi32, #tpu.memory_space<hbm>>
      %dma_wait3A_565 = arith.constant 0 : i32
      %dma_wait3A_566 = tpu.memref_slice %arg7[%dma_wait3A_559, %dma_wait3A_560, %dma_wait3A_565] : memref<3x1x80xi32, #tpu.memory_space<vmem>> -> memref<1x1x80xi32, #tpu.memory_space<vmem>>
      %dma_wait3A_567 = tpu.memref_squeeze %dma_wait3A_566 : memref<1x1x80xi32, #tpu.memory_space<vmem>> -> memref<80xi32, #tpu.memory_space<vmem>>
      %dma_wait3A_568 = tpu.memref_slice %arg3[%add3A_558] : memref<320000xi32, #tpu.memory_space<hbm>> -> memref<80xi32, #tpu.memory_space<hbm>>
      tpu.wait_dma2 semaphore(%arg11 : memref<!tpu.dma_semaphore, #tpu.memory_space<semaphore_mem>>) src(%dma_wait3A_568 : memref<80xi32, #tpu.memory_space<hbm>>) dst(%dma_wait3A_567 : memref<80xi32, #tpu.memory_space<vmem>>)
      %dma_wait3A_569 = arith.constant 1 : i32
      %dma_wait3A_570 = arith.constant 0 : i32
      %dma_wait3A_571 = arith.constant 0 : i32
      %dma_wait3A_572 = tpu.memref_slice %arg8[%dma_wait3A_569, %dma_wait3A_570, %dma_wait3A_571] : memref<3x80x128xf32, #tpu.memory_space<vmem>> -> memref<1x80x128xf32, #tpu.memory_space<vmem>>
      %dma_wait3A_573 = tpu.memref_squeeze %dma_wait3A_572 : memref<1x80x128xf32, #tpu.memory_space<vmem>> -> memref<80x128xf32, #tpu.memory_space<vmem>>
      %dma_wait3A_574 = arith.constant 0 : i32
      %dma_wait3A_575 = tpu.memref_slice %arg2[%add3A_558, %dma_wait3A_574] : memref<320000x128xf32, #tpu.memory_space<hbm>> -> memref<80x128xf32, #tpu.memory_space<hbm>>
      %dma_wait3A_576 = arith.constant 0 : i32
      %dma_wait3A_577 = arith.constant 0 : i32
      %dma_wait3A_578 = tpu.memref_slice %arg8[%dma_wait3A_569, %dma_wait3A_576, %dma_wait3A_577] : memref<3x80x128xf32, #tpu.memory_space<vmem>> -> memref<1x80x128xf32, #tpu.memory_space<vmem>>
      %dma_wait3A_579 = tpu.memref_squeeze %dma_wait3A_578 : memref<1x80x128xf32, #tpu.memory_space<vmem>> -> memref<80x128xf32, #tpu.memory_space<vmem>>
      %dma_wait3A_580 = arith.constant 0 : i32
      %dma_wait3A_581 = tpu.memref_slice %arg2[%add3A_558, %dma_wait3A_580] : memref<320000x128xf32, #tpu.memory_space<hbm>> -> memref<80x128xf32, #tpu.memory_space<hbm>>
      tpu.wait_dma2 semaphore(%arg14 : memref<!tpu.dma_semaphore, #tpu.memory_space<semaphore_mem>>) src(%dma_wait3A_581 : memref<80x128xf32, #tpu.memory_space<hbm>>) dst(%dma_wait3A_579 : memref<80x128xf32, #tpu.memory_space<vmem>>)
      %dma_start3A_582 = arith.constant 1 : i32
      %dma_start3A_583 = arith.constant 1 : i32
      %dma_start3A_584 = arith.constant 0 : i32
      %dma_start3A_585 = arith.constant 0 : i32
      %dma_start3A_586 = arith.constant 0 : i32
      %dma_start3A_587 = tpu.memref_slice %arg8[%dma_start3A_582, %dma_start3A_585, %dma_start3A_586] : memref<3x80x128xf32, #tpu.memory_space<vmem>> -> memref<1x80x128xf32, #tpu.memory_space<vmem>>
      %dma_start3A_588 = tpu.memref_squeeze %dma_start3A_587 : memref<1x80x128xf32, #tpu.memory_space<vmem>> -> memref<80x128xf32, #tpu.memory_space<vmem>>
      %dma_start3A_589 = arith.constant 0 : i32
      %dma_start3A_590 = tpu.memref_slice %arg7[%dma_start3A_583, %dma_start3A_584, %dma_start3A_589] : memref<3x1x80xi32, #tpu.memory_space<vmem>> -> memref<1x1x80xi32, #tpu.memory_space<vmem>>
      %dma_start3A_591 = tpu.memref_squeeze %dma_start3A_590 : memref<1x1x80xi32, #tpu.memory_space<vmem>> -> memref<80xi32, #tpu.memory_space<vmem>>
      %dma_start3A_592 = arith.constant 0 : i32
      %dma_start3A_593 = arith.constant 0 : i32
      %dma_start3A_594 = tpu.memref_slice %arg5[%dma_start3A_592, %dma_start3A_593] : memref<10000x128xf32, #tpu.memory_space<vmem_shared>> -> memref<10000x128xf32, #tpu.memory_space<vmem_shared>>
      tpu.enqueue_indirect_dma source(%dma_start3A_588 : memref<80x128xf32, #tpu.memory_space<vmem>>) target(%dma_start3A_594 : memref<10000x128xf32, #tpu.memory_space<vmem_shared>>) offsets(%dma_start3A_591 : memref<80xi32, #tpu.memory_space<vmem>>) semaphore(%arg17 : memref<!tpu.dma_semaphore, #tpu.memory_space<semaphore_mem>>) {add = true}
      %dma_wait3A_595 = arith.constant 1 : i32
      %dma_wait3A_596 = arith.constant 1 : i32
      %dma_wait3A_597 = arith.constant 0 : i32
      %dma_wait3A_598 = arith.constant 0 : i32
      %dma_wait3A_599 = arith.constant 0 : i32
      %dma_wait3A_600 = tpu.memref_slice %arg8[%dma_wait3A_595, %dma_wait3A_598, %dma_wait3A_599] : memref<3x80x128xf32, #tpu.memory_space<vmem>> -> memref<1x80x128xf32, #tpu.memory_space<vmem>>
      %dma_wait3A_601 = tpu.memref_squeeze %dma_wait3A_600 : memref<1x80x128xf32, #tpu.memory_space<vmem>> -> memref<80x128xf32, #tpu.memory_space<vmem>>
      %dma_wait3A_602 = arith.constant 0 : i32
      %dma_wait3A_603 = tpu.memref_slice %arg7[%dma_wait3A_596, %dma_wait3A_597, %dma_wait3A_602] : memref<3x1x80xi32, #tpu.memory_space<vmem>> -> memref<1x1x80xi32, #tpu.memory_space<vmem>>
      %dma_wait3A_604 = tpu.memref_squeeze %dma_wait3A_603 : memref<1x1x80xi32, #tpu.memory_space<vmem>> -> memref<80xi32, #tpu.memory_space<vmem>>
      %dma_wait3A_605 = arith.constant 0 : i32
      %dma_wait3A_606 = arith.constant 0 : i32
      %dma_wait3A_607 = tpu.memref_slice %arg5[%dma_wait3A_605, %dma_wait3A_606] : memref<10000x128xf32, #tpu.memory_space<vmem_shared>> -> memref<10000x128xf32, #tpu.memory_space<vmem_shared>>
      tpu.wait_indirect_dma semaphore(%arg17 : memref<!tpu.dma_semaphore, #tpu.memory_space<semaphore_mem>>) src(%dma_wait3A_601 : memref<80x128xf32, #tpu.memory_space<vmem>>) dst(%dma_wait3A_607 : memref<10000x128xf32, #tpu.memory_space<vmem_shared>>)
      %add3A_608 = arith.constant 240 : i32
      %add3A_609 = arith.addi %add3A_558, %add3A_608 : i32
      %dma_start3A_610 = arith.constant 1 : i32
      %dma_start3A_611 = arith.constant 0 : i32
      %dma_start3A_612 = arith.constant 0 : i32
      %dma_start3A_613 = tpu.memref_slice %arg7[%dma_start3A_610, %dma_start3A_611, %dma_start3A_612] : memref<3x1x80xi32, #tpu.memory_space<vmem>> -> memref<1x1x80xi32, #tpu.memory_space<vmem>>
      %dma_start3A_614 = tpu.memref_squeeze %dma_start3A_613 : memref<1x1x80xi32, #tpu.memory_space<vmem>> -> memref<80xi32, #tpu.memory_space<vmem>>
      %dma_start3A_615 = tpu.memref_slice %arg3[%add3A_609] : memref<320000xi32, #tpu.memory_space<hbm>> -> memref<80xi32, #tpu.memory_space<hbm>>
      %dma_start3A_616 = arith.constant 0 : i32
      %dma_start3A_617 = tpu.memref_slice %arg7[%dma_start3A_610, %dma_start3A_611, %dma_start3A_616] : memref<3x1x80xi32, #tpu.memory_space<vmem>> -> memref<1x1x80xi32, #tpu.memory_space<vmem>>
      %dma_start3A_618 = tpu.memref_squeeze %dma_start3A_617 : memref<1x1x80xi32, #tpu.memory_space<vmem>> -> memref<80xi32, #tpu.memory_space<vmem>>
      %dma_start3A_619 = tpu.memref_slice %arg3[%add3A_609] : memref<320000xi32, #tpu.memory_space<hbm>> -> memref<80xi32, #tpu.memory_space<hbm>>
      tpu.enqueue_dma source(%dma_start3A_619 : memref<80xi32, #tpu.memory_space<hbm>>) target(%dma_start3A_618 : memref<80xi32, #tpu.memory_space<vmem>>) target_semaphore(%arg11 : memref<!tpu.dma_semaphore, #tpu.memory_space<semaphore_mem>>)
      %add3A_620 = arith.constant 240 : i32
      %add3A_621 = arith.addi %add3A_558, %add3A_620 : i32
      %dma_start3A_622 = arith.constant 1 : i32
      %dma_start3A_623 = arith.constant 0 : i32
      %dma_start3A_624 = arith.constant 0 : i32
      %dma_start3A_625 = tpu.memref_slice %arg8[%dma_start3A_622, %dma_start3A_623, %dma_start3A_624] : memref<3x80x128xf32, #tpu.memory_space<vmem>> -> memref<1x80x128xf32, #tpu.memory_space<vmem>>
      %dma_start3A_626 = tpu.memref_squeeze %dma_start3A_625 : memref<1x80x128xf32, #tpu.memory_space<vmem>> -> memref<80x128xf32, #tpu.memory_space<vmem>>
      %dma_start3A_627 = arith.constant 0 : i32
      %dma_start3A_628 = tpu.memref_slice %arg2[%add3A_621, %dma_start3A_627] : memref<320000x128xf32, #tpu.memory_space<hbm>> -> memref<80x128xf32, #tpu.memory_space<hbm>>
      %dma_start3A_629 = arith.constant 0 : i32
      %dma_start3A_630 = arith.constant 0 : i32
      %dma_start3A_631 = tpu.memref_slice %arg8[%dma_start3A_622, %dma_start3A_629, %dma_start3A_630] : memref<3x80x128xf32, #tpu.memory_space<vmem>> -> memref<1x80x128xf32, #tpu.memory_space<vmem>>
      %dma_start3A_632 = tpu.memref_squeeze %dma_start3A_631 : memref<1x80x128xf32, #tpu.memory_space<vmem>> -> memref<80x128xf32, #tpu.memory_space<vmem>>
      %dma_start3A_633 = arith.constant 0 : i32
      %dma_start3A_634 = tpu.memref_slice %arg2[%add3A_621, %dma_start3A_633] : memref<320000x128xf32, #tpu.memory_space<hbm>> -> memref<80x128xf32, #tpu.memory_space<hbm>>
      tpu.enqueue_dma source(%dma_start3A_634 : memref<80x128xf32, #tpu.memory_space<hbm>>) target(%dma_start3A_632 : memref<80x128xf32, #tpu.memory_space<vmem>>) target_semaphore(%arg14 : memref<!tpu.dma_semaphore, #tpu.memory_space<semaphore_mem>>)
      %mul3A_635 = arith.constant 3 : i32
      %mul3A_636 = arith.muli %scan3A_468, %mul3A_635 : i32
      %add3A_637 = arith.constant 2 : i32
      %add3A_638 = arith.addi %mul3A_636, %add3A_637 : i32
      %mul3A_639 = arith.constant 80 : i32
      %mul3A_640 = arith.muli %add3A_638, %mul3A_639 : i32
      %add3A_641 = arith.addi %add3A, %mul3A_640 : i32
      %dma_wait3A_642 = arith.constant 2 : i32
      %dma_wait3A_643 = arith.constant 0 : i32
      %dma_wait3A_644 = arith.constant 0 : i32
      %dma_wait3A_645 = tpu.memref_slice %arg7[%dma_wait3A_642, %dma_wait3A_643, %dma_wait3A_644] : memref<3x1x80xi32, #tpu.memory_space<vmem>> -> memref<1x1x80xi32, #tpu.memory_space<vmem>>
      %dma_wait3A_646 = tpu.memref_squeeze %dma_wait3A_645 : memref<1x1x80xi32, #tpu.memory_space<vmem>> -> memref<80xi32, #tpu.memory_space<vmem>>
      %dma_wait3A_647 = tpu.memref_slice %arg3[%add3A_641] : memref<320000xi32, #tpu.memory_space<hbm>> -> memref<80xi32, #tpu.memory_space<hbm>>
      %dma_wait3A_648 = arith.constant 0 : i32
      %dma_wait3A_649 = tpu.memref_slice %arg7[%dma_wait3A_642, %dma_wait3A_643, %dma_wait3A_648] : memref<3x1x80xi32, #tpu.memory_space<vmem>> -> memref<1x1x80xi32, #tpu.memory_space<vmem>>
      %dma_wait3A_650 = tpu.memref_squeeze %dma_wait3A_649 : memref<1x1x80xi32, #tpu.memory_space<vmem>> -> memref<80xi32, #tpu.memory_space<vmem>>
      %dma_wait3A_651 = tpu.memref_slice %arg3[%add3A_641] : memref<320000xi32, #tpu.memory_space<hbm>> -> memref<80xi32, #tpu.memory_space<hbm>>
      tpu.wait_dma2 semaphore(%arg12 : memref<!tpu.dma_semaphore, #tpu.memory_space<semaphore_mem>>) src(%dma_wait3A_651 : memref<80xi32, #tpu.memory_space<hbm>>) dst(%dma_wait3A_650 : memref<80xi32, #tpu.memory_space<vmem>>)
      %dma_wait3A_652 = arith.constant 2 : i32
      %dma_wait3A_653 = arith.constant 0 : i32
      %dma_wait3A_654 = arith.constant 0 : i32
      %dma_wait3A_655 = tpu.memref_slice %arg8[%dma_wait3A_652, %dma_wait3A_653, %dma_wait3A_654] : memref<3x80x128xf32, #tpu.memory_space<vmem>> -> memref<1x80x128xf32, #tpu.memory_space<vmem>>
      %dma_wait3A_656 = tpu.memref_squeeze %dma_wait3A_655 : memref<1x80x128xf32, #tpu.memory_space<vmem>> -> memref<80x128xf32, #tpu.memory_space<vmem>>
      %dma_wait3A_657 = arith.constant 0 : i32
      %dma_wait3A_658 = tpu.memref_slice %arg2[%add3A_641, %dma_wait3A_657] : memref<320000x128xf32, #tpu.memory_space<hbm>> -> memref<80x128xf32, #tpu.memory_space<hbm>>
      %dma_wait3A_659 = arith.constant 0 : i32
      %dma_wait3A_660 = arith.constant 0 : i32
      %dma_wait3A_661 = tpu.memref_slice %arg8[%dma_wait3A_652, %dma_wait3A_659, %dma_wait3A_660] : memref<3x80x128xf32, #tpu.memory_space<vmem>> -> memref<1x80x128xf32, #tpu.memory_space<vmem>>
      %dma_wait3A_662 = tpu.memref_squeeze %dma_wait3A_661 : memref<1x80x128xf32, #tpu.memory_space<vmem>> -> memref<80x128xf32, #tpu.memory_space<vmem>>
      %dma_wait3A_663 = arith.constant 0 : i32
      %dma_wait3A_664 = tpu.memref_slice %arg2[%add3A_641, %dma_wait3A_663] : memref<320000x128xf32, #tpu.memory_space<hbm>> -> memref<80x128xf32, #tpu.memory_space<hbm>>
      tpu.wait_dma2 semaphore(%arg15 : memref<!tpu.dma_semaphore, #tpu.memory_space<semaphore_mem>>) src(%dma_wait3A_664 : memref<80x128xf32, #tpu.memory_space<hbm>>) dst(%dma_wait3A_662 : memref<80x128xf32, #tpu.memory_space<vmem>>)
      %dma_start3A_665 = arith.constant 2 : i32
      %dma_start3A_666 = arith.constant 2 : i32
      %dma_start3A_667 = arith.constant 0 : i32
      %dma_start3A_668 = arith.constant 0 : i32
      %dma_start3A_669 = arith.constant 0 : i32
      %dma_start3A_670 = tpu.memref_slice %arg8[%dma_start3A_665, %dma_start3A_668, %dma_start3A_669] : memref<3x80x128xf32, #tpu.memory_space<vmem>> -> memref<1x80x128xf32, #tpu.memory_space<vmem>>
      %dma_start3A_671 = tpu.memref_squeeze %dma_start3A_670 : memref<1x80x128xf32, #tpu.memory_space<vmem>> -> memref<80x128xf32, #tpu.memory_space<vmem>>
      %dma_start3A_672 = arith.constant 0 : i32
      %dma_start3A_673 = tpu.memref_slice %arg7[%dma_start3A_666, %dma_start3A_667, %dma_start3A_672] : memref<3x1x80xi32, #tpu.memory_space<vmem>> -> memref<1x1x80xi32, #tpu.memory_space<vmem>>
      %dma_start3A_674 = tpu.memref_squeeze %dma_start3A_673 : memref<1x1x80xi32, #tpu.memory_space<vmem>> -> memref<80xi32, #tpu.memory_space<vmem>>
      %dma_start3A_675 = arith.constant 0 : i32
      %dma_start3A_676 = arith.constant 0 : i32
      %dma_start3A_677 = tpu.memref_slice %arg5[%dma_start3A_675, %dma_start3A_676] : memref<10000x128xf32, #tpu.memory_space<vmem_shared>> -> memref<10000x128xf32, #tpu.memory_space<vmem_shared>>
      tpu.enqueue_indirect_dma source(%dma_start3A_671 : memref<80x128xf32, #tpu.memory_space<vmem>>) target(%dma_start3A_677 : memref<10000x128xf32, #tpu.memory_space<vmem_shared>>) offsets(%dma_start3A_674 : memref<80xi32, #tpu.memory_space<vmem>>) semaphore(%arg18 : memref<!tpu.dma_semaphore, #tpu.memory_space<semaphore_mem>>) {add = true}
      %dma_wait3A_678 = arith.constant 2 : i32
      %dma_wait3A_679 = arith.constant 2 : i32
      %dma_wait3A_680 = arith.constant 0 : i32
      %dma_wait3A_681 = arith.constant 0 : i32
      %dma_wait3A_682 = arith.constant 0 : i32
      %dma_wait3A_683 = tpu.memref_slice %arg8[%dma_wait3A_678, %dma_wait3A_681, %dma_wait3A_682] : memref<3x80x128xf32, #tpu.memory_space<vmem>> -> memref<1x80x128xf32, #tpu.memory_space<vmem>>
      %dma_wait3A_684 = tpu.memref_squeeze %dma_wait3A_683 : memref<1x80x128xf32, #tpu.memory_space<vmem>> -> memref<80x128xf32, #tpu.memory_space<vmem>>
      %dma_wait3A_685 = arith.constant 0 : i32
      %dma_wait3A_686 = tpu.memref_slice %arg7[%dma_wait3A_679, %dma_wait3A_680, %dma_wait3A_685] : memref<3x1x80xi32, #tpu.memory_space<vmem>> -> memref<1x1x80xi32, #tpu.memory_space<vmem>>
      %dma_wait3A_687 = tpu.memref_squeeze %dma_wait3A_686 : memref<1x1x80xi32, #tpu.memory_space<vmem>> -> memref<80xi32, #tpu.memory_space<vmem>>
      %dma_wait3A_688 = arith.constant 0 : i32
      %dma_wait3A_689 = arith.constant 0 : i32
      %dma_wait3A_690 = tpu.memref_slice %arg5[%dma_wait3A_688, %dma_wait3A_689] : memref<10000x128xf32, #tpu.memory_space<vmem_shared>> -> memref<10000x128xf32, #tpu.memory_space<vmem_shared>>
      tpu.wait_indirect_dma semaphore(%arg18 : memref<!tpu.dma_semaphore, #tpu.memory_space<semaphore_mem>>) src(%dma_wait3A_684 : memref<80x128xf32, #tpu.memory_space<vmem>>) dst(%dma_wait3A_690 : memref<10000x128xf32, #tpu.memory_space<vmem_shared>>)
      %add3A_691 = arith.constant 240 : i32
      %add3A_692 = arith.addi %add3A_641, %add3A_691 : i32
      %dma_start3A_693 = arith.constant 2 : i32
      %dma_start3A_694 = arith.constant 0 : i32
      %dma_start3A_695 = arith.constant 0 : i32
      %dma_start3A_696 = tpu.memref_slice %arg7[%dma_start3A_693, %dma_start3A_694, %dma_start3A_695] : memref<3x1x80xi32, #tpu.memory_space<vmem>> -> memref<1x1x80xi32, #tpu.memory_space<vmem>>
      %dma_start3A_697 = tpu.memref_squeeze %dma_start3A_696 : memref<1x1x80xi32, #tpu.memory_space<vmem>> -> memref<80xi32, #tpu.memory_space<vmem>>
      %dma_start3A_698 = tpu.memref_slice %arg3[%add3A_692] : memref<320000xi32, #tpu.memory_space<hbm>> -> memref<80xi32, #tpu.memory_space<hbm>>
      %dma_start3A_699 = arith.constant 0 : i32
      %dma_start3A_700 = tpu.memref_slice %arg7[%dma_start3A_693, %dma_start3A_694, %dma_start3A_699] : memref<3x1x80xi32, #tpu.memory_space<vmem>> -> memref<1x1x80xi32, #tpu.memory_space<vmem>>
      %dma_start3A_701 = tpu.memref_squeeze %dma_start3A_700 : memref<1x1x80xi32, #tpu.memory_space<vmem>> -> memref<80xi32, #tpu.memory_space<vmem>>
      %dma_start3A_702 = tpu.memref_slice %arg3[%add3A_692] : memref<320000xi32, #tpu.memory_space<hbm>> -> memref<80xi32, #tpu.memory_space<hbm>>
      tpu.enqueue_dma source(%dma_start3A_702 : memref<80xi32, #tpu.memory_space<hbm>>) target(%dma_start3A_701 : memref<80xi32, #tpu.memory_space<vmem>>) target_semaphore(%arg12 : memref<!tpu.dma_semaphore, #tpu.memory_space<semaphore_mem>>)
      %add3A_703 = arith.constant 240 : i32
      %add3A_704 = arith.addi %add3A_641, %add3A_703 : i32
      %dma_start3A_705 = arith.constant 2 : i32
      %dma_start3A_706 = arith.constant 0 : i32
      %dma_start3A_707 = arith.constant 0 : i32
      %dma_start3A_708 = tpu.memref_slice %arg8[%dma_start3A_705, %dma_start3A_706, %dma_start3A_707] : memref<3x80x128xf32, #tpu.memory_space<vmem>> -> memref<1x80x128xf32, #tpu.memory_space<vmem>>
      %dma_start3A_709 = tpu.memref_squeeze %dma_start3A_708 : memref<1x80x128xf32, #tpu.memory_space<vmem>> -> memref<80x128xf32, #tpu.memory_space<vmem>>
      %dma_start3A_710 = arith.constant 0 : i32
      %dma_start3A_711 = tpu.memref_slice %arg2[%add3A_704, %dma_start3A_710] : memref<320000x128xf32, #tpu.memory_space<hbm>> -> memref<80x128xf32, #tpu.memory_space<hbm>>
      %dma_start3A_712 = arith.constant 0 : i32
      %dma_start3A_713 = arith.constant 0 : i32
      %dma_start3A_714 = tpu.memref_slice %arg8[%dma_start3A_705, %dma_start3A_712, %dma_start3A_713] : memref<3x80x128xf32, #tpu.memory_space<vmem>> -> memref<1x80x128xf32, #tpu.memory_space<vmem>>
      %dma_start3A_715 = tpu.memref_squeeze %dma_start3A_714 : memref<1x80x128xf32, #tpu.memory_space<vmem>> -> memref<80x128xf32, #tpu.memory_space<vmem>>
      %dma_start3A_716 = arith.constant 0 : i32
      %dma_start3A_717 = tpu.memref_slice %arg2[%add3A_704, %dma_start3A_716] : memref<320000x128xf32, #tpu.memory_space<hbm>> -> memref<80x128xf32, #tpu.memory_space<hbm>>
      tpu.enqueue_dma source(%dma_start3A_717 : memref<80x128xf32, #tpu.memory_space<hbm>>) target(%dma_start3A_715 : memref<80x128xf32, #tpu.memory_space<vmem>>) target_semaphore(%arg15 : memref<!tpu.dma_semaphore, #tpu.memory_space<semaphore_mem>>)
    }
    %scan3A_99 = arith.constant 40 : i32
    %add3A_100 = arith.constant 9600 : i32
    %add3A_101 = arith.addi %add3A, %add3A_100 : i32
    %dma_wait3A = arith.constant 0 : i32
    %dma_wait3A_102 = arith.constant 0 : i32
    %dma_wait3A_103 = arith.constant 0 : i32
    %dma_wait3A_104 = tpu.memref_slice %arg7[%dma_wait3A, %dma_wait3A_102, %dma_wait3A_103] : memref<3x1x80xi32, #tpu.memory_space<vmem>> -> memref<1x1x80xi32, #tpu.memory_space<vmem>>
    %dma_wait3A_105 = tpu.memref_squeeze %dma_wait3A_104 : memref<1x1x80xi32, #tpu.memory_space<vmem>> -> memref<80xi32, #tpu.memory_space<vmem>>
    %dma_wait3A_106 = tpu.memref_slice %arg3[%add3A_101] : memref<320000xi32, #tpu.memory_space<hbm>> -> memref<80xi32, #tpu.memory_space<hbm>>
    %dma_wait3A_107 = arith.constant 0 : i32
    %dma_wait3A_108 = tpu.memref_slice %arg7[%dma_wait3A, %dma_wait3A_102, %dma_wait3A_107] : memref<3x1x80xi32, #tpu.memory_space<vmem>> -> memref<1x1x80xi32, #tpu.memory_space<vmem>>
    %dma_wait3A_109 = tpu.memref_squeeze %dma_wait3A_108 : memref<1x1x80xi32, #tpu.memory_space<vmem>> -> memref<80xi32, #tpu.memory_space<vmem>>
    %dma_wait3A_110 = tpu.memref_slice %arg3[%add3A_101] : memref<320000xi32, #tpu.memory_space<hbm>> -> memref<80xi32, #tpu.memory_space<hbm>>
    tpu.wait_dma2 semaphore(%arg10 : memref<!tpu.dma_semaphore, #tpu.memory_space<semaphore_mem>>) src(%dma_wait3A_110 : memref<80xi32, #tpu.memory_space<hbm>>) dst(%dma_wait3A_109 : memref<80xi32, #tpu.memory_space<vmem>>)
    %dma_wait3A_111 = arith.constant 0 : i32
    %dma_wait3A_112 = arith.constant 0 : i32
    %dma_wait3A_113 = arith.constant 0 : i32
    %dma_wait3A_114 = tpu.memref_slice %arg8[%dma_wait3A_111, %dma_wait3A_112, %dma_wait3A_113] : memref<3x80x128xf32, #tpu.memory_space<vmem>> -> memref<1x80x128xf32, #tpu.memory_space<vmem>>
    %dma_wait3A_115 = tpu.memref_squeeze %dma_wait3A_114 : memref<1x80x128xf32, #tpu.memory_space<vmem>> -> memref<80x128xf32, #tpu.memory_space<vmem>>
    %dma_wait3A_116 = arith.constant 0 : i32
    %dma_wait3A_117 = tpu.memref_slice %arg2[%add3A_101, %dma_wait3A_116] : memref<320000x128xf32, #tpu.memory_space<hbm>> -> memref<80x128xf32, #tpu.memory_space<hbm>>
    %dma_wait3A_118 = arith.constant 0 : i32
    %dma_wait3A_119 = arith.constant 0 : i32
    %dma_wait3A_120 = tpu.memref_slice %arg8[%dma_wait3A_111, %dma_wait3A_118, %dma_wait3A_119] : memref<3x80x128xf32, #tpu.memory_space<vmem>> -> memref<1x80x128xf32, #tpu.memory_space<vmem>>
    %dma_wait3A_121 = tpu.memref_squeeze %dma_wait3A_120 : memref<1x80x128xf32, #tpu.memory_space<vmem>> -> memref<80x128xf32, #tpu.memory_space<vmem>>
    %dma_wait3A_122 = arith.constant 0 : i32
    %dma_wait3A_123 = tpu.memref_slice %arg2[%add3A_101, %dma_wait3A_122] : memref<320000x128xf32, #tpu.memory_space<hbm>> -> memref<80x128xf32, #tpu.memory_space<hbm>>
    tpu.wait_dma2 semaphore(%arg13 : memref<!tpu.dma_semaphore, #tpu.memory_space<semaphore_mem>>) src(%dma_wait3A_123 : memref<80x128xf32, #tpu.memory_space<hbm>>) dst(%dma_wait3A_121 : memref<80x128xf32, #tpu.memory_space<vmem>>)
    %dma_start3A_124 = arith.constant 0 : i32
    %dma_start3A_125 = arith.constant 0 : i32
    %dma_start3A_126 = arith.constant 0 : i32
    %dma_start3A_127 = arith.constant 0 : i32
    %dma_start3A_128 = arith.constant 0 : i32
    %dma_start3A_129 = tpu.memref_slice %arg8[%dma_start3A_124, %dma_start3A_127, %dma_start3A_128] : memref<3x80x128xf32, #tpu.memory_space<vmem>> -> memref<1x80x128xf32, #tpu.memory_space<vmem>>
    %dma_start3A_130 = tpu.memref_squeeze %dma_start3A_129 : memref<1x80x128xf32, #tpu.memory_space<vmem>> -> memref<80x128xf32, #tpu.memory_space<vmem>>
    %dma_start3A_131 = arith.constant 0 : i32
    %dma_start3A_132 = tpu.memref_slice %arg7[%dma_start3A_125, %dma_start3A_126, %dma_start3A_131] : memref<3x1x80xi32, #tpu.memory_space<vmem>> -> memref<1x1x80xi32, #tpu.memory_space<vmem>>
    %dma_start3A_133 = tpu.memref_squeeze %dma_start3A_132 : memref<1x1x80xi32, #tpu.memory_space<vmem>> -> memref<80xi32, #tpu.memory_space<vmem>>
    %dma_start3A_134 = arith.constant 0 : i32
    %dma_start3A_135 = arith.constant 0 : i32
    %dma_start3A_136 = tpu.memref_slice %arg5[%dma_start3A_134, %dma_start3A_135] : memref<10000x128xf32, #tpu.memory_space<vmem_shared>> -> memref<10000x128xf32, #tpu.memory_space<vmem_shared>>
    tpu.enqueue_indirect_dma source(%dma_start3A_130 : memref<80x128xf32, #tpu.memory_space<vmem>>) target(%dma_start3A_136 : memref<10000x128xf32, #tpu.memory_space<vmem_shared>>) offsets(%dma_start3A_133 : memref<80xi32, #tpu.memory_space<vmem>>) semaphore(%arg16 : memref<!tpu.dma_semaphore, #tpu.memory_space<semaphore_mem>>) {add = true}
    %dma_wait3A_137 = arith.constant 0 : i32
    %dma_wait3A_138 = arith.constant 0 : i32
    %dma_wait3A_139 = arith.constant 0 : i32
    %dma_wait3A_140 = arith.constant 0 : i32
    %dma_wait3A_141 = arith.constant 0 : i32
    %dma_wait3A_142 = tpu.memref_slice %arg8[%dma_wait3A_137, %dma_wait3A_140, %dma_wait3A_141] : memref<3x80x128xf32, #tpu.memory_space<vmem>> -> memref<1x80x128xf32, #tpu.memory_space<vmem>>
    %dma_wait3A_143 = tpu.memref_squeeze %dma_wait3A_142 : memref<1x80x128xf32, #tpu.memory_space<vmem>> -> memref<80x128xf32, #tpu.memory_space<vmem>>
    %dma_wait3A_144 = arith.constant 0 : i32
    %dma_wait3A_145 = tpu.memref_slice %arg7[%dma_wait3A_138, %dma_wait3A_139, %dma_wait3A_144] : memref<3x1x80xi32, #tpu.memory_space<vmem>> -> memref<1x1x80xi32, #tpu.memory_space<vmem>>
    %dma_wait3A_146 = tpu.memref_squeeze %dma_wait3A_145 : memref<1x1x80xi32, #tpu.memory_space<vmem>> -> memref<80xi32, #tpu.memory_space<vmem>>
    %dma_wait3A_147 = arith.constant 0 : i32
    %dma_wait3A_148 = arith.constant 0 : i32
    %dma_wait3A_149 = tpu.memref_slice %arg5[%dma_wait3A_147, %dma_wait3A_148] : memref<10000x128xf32, #tpu.memory_space<vmem_shared>> -> memref<10000x128xf32, #tpu.memory_space<vmem_shared>>
    tpu.wait_indirect_dma semaphore(%arg16 : memref<!tpu.dma_semaphore, #tpu.memory_space<semaphore_mem>>) src(%dma_wait3A_143 : memref<80x128xf32, #tpu.memory_space<vmem>>) dst(%dma_wait3A_149 : memref<10000x128xf32, #tpu.memory_space<vmem_shared>>)
    %add3A_150 = arith.constant 240 : i32
    %add3A_151 = arith.addi %add3A_101, %add3A_150 : i32
    %dma_start3A_152 = arith.constant 0 : i32
    %dma_start3A_153 = arith.constant 0 : i32
    %dma_start3A_154 = arith.constant 0 : i32
    %dma_start3A_155 = tpu.memref_slice %arg7[%dma_start3A_152, %dma_start3A_153, %dma_start3A_154] : memref<3x1x80xi32, #tpu.memory_space<vmem>> -> memref<1x1x80xi32, #tpu.memory_space<vmem>>
    %dma_start3A_156 = tpu.memref_squeeze %dma_start3A_155 : memref<1x1x80xi32, #tpu.memory_space<vmem>> -> memref<80xi32, #tpu.memory_space<vmem>>
    %dma_start3A_157 = tpu.memref_slice %arg3[%add3A_151] : memref<320000xi32, #tpu.memory_space<hbm>> -> memref<80xi32, #tpu.memory_space<hbm>>
    %dma_start3A_158 = arith.constant 0 : i32
    %dma_start3A_159 = tpu.memref_slice %arg7[%dma_start3A_152, %dma_start3A_153, %dma_start3A_158] : memref<3x1x80xi32, #tpu.memory_space<vmem>> -> memref<1x1x80xi32, #tpu.memory_space<vmem>>
    %dma_start3A_160 = tpu.memref_squeeze %dma_start3A_159 : memref<1x1x80xi32, #tpu.memory_space<vmem>> -> memref<80xi32, #tpu.memory_space<vmem>>
    %dma_start3A_161 = tpu.memref_slice %arg3[%add3A_151] : memref<320000xi32, #tpu.memory_space<hbm>> -> memref<80xi32, #tpu.memory_space<hbm>>
    tpu.enqueue_dma source(%dma_start3A_161 : memref<80xi32, #tpu.memory_space<hbm>>) target(%dma_start3A_160 : memref<80xi32, #tpu.memory_space<vmem>>) target_semaphore(%arg10 : memref<!tpu.dma_semaphore, #tpu.memory_space<semaphore_mem>>)
    %add3A_162 = arith.constant 240 : i32
    %add3A_163 = arith.addi %add3A_101, %add3A_162 : i32
    %dma_start3A_164 = arith.constant 0 : i32
    %dma_start3A_165 = arith.constant 0 : i32
    %dma_start3A_166 = arith.constant 0 : i32
    %dma_start3A_167 = tpu.memref_slice %arg8[%dma_start3A_164, %dma_start3A_165, %dma_start3A_166] : memref<3x80x128xf32, #tpu.memory_space<vmem>> -> memref<1x80x128xf32, #tpu.memory_space<vmem>>
    %dma_start3A_168 = tpu.memref_squeeze %dma_start3A_167 : memref<1x80x128xf32, #tpu.memory_space<vmem>> -> memref<80x128xf32, #tpu.memory_space<vmem>>
    %dma_start3A_169 = arith.constant 0 : i32
    %dma_start3A_170 = tpu.memref_slice %arg2[%add3A_163, %dma_start3A_169] : memref<320000x128xf32, #tpu.memory_space<hbm>> -> memref<80x128xf32, #tpu.memory_space<hbm>>
    %dma_start3A_171 = arith.constant 0 : i32
    %dma_start3A_172 = arith.constant 0 : i32
    %dma_start3A_173 = tpu.memref_slice %arg8[%dma_start3A_164, %dma_start3A_171, %dma_start3A_172] : memref<3x80x128xf32, #tpu.memory_space<vmem>> -> memref<1x80x128xf32, #tpu.memory_space<vmem>>
    %dma_start3A_174 = tpu.memref_squeeze %dma_start3A_173 : memref<1x80x128xf32, #tpu.memory_space<vmem>> -> memref<80x128xf32, #tpu.memory_space<vmem>>
    %dma_start3A_175 = arith.constant 0 : i32
    %dma_start3A_176 = tpu.memref_slice %arg2[%add3A_163, %dma_start3A_175] : memref<320000x128xf32, #tpu.memory_space<hbm>> -> memref<80x128xf32, #tpu.memory_space<hbm>>
    tpu.enqueue_dma source(%dma_start3A_176 : memref<80x128xf32, #tpu.memory_space<hbm>>) target(%dma_start3A_174 : memref<80x128xf32, #tpu.memory_space<vmem>>) target_semaphore(%arg13 : memref<!tpu.dma_semaphore, #tpu.memory_space<semaphore_mem>>)
    %add3A_177 = arith.constant 9680 : i32
    %add3A_178 = arith.addi %add3A, %add3A_177 : i32
    %dma_wait3A_179 = arith.constant 1 : i32
    %dma_wait3A_180 = arith.constant 0 : i32
    %dma_wait3A_181 = arith.constant 0 : i32
    %dma_wait3A_182 = tpu.memref_slice %arg7[%dma_wait3A_179, %dma_wait3A_180, %dma_wait3A_181] : memref<3x1x80xi32, #tpu.memory_space<vmem>> -> memref<1x1x80xi32, #tpu.memory_space<vmem>>
    %dma_wait3A_183 = tpu.memref_squeeze %dma_wait3A_182 : memref<1x1x80xi32, #tpu.memory_space<vmem>> -> memref<80xi32, #tpu.memory_space<vmem>>
    %dma_wait3A_184 = tpu.memref_slice %arg3[%add3A_178] : memref<320000xi32, #tpu.memory_space<hbm>> -> memref<80xi32, #tpu.memory_space<hbm>>
    %dma_wait3A_185 = arith.constant 0 : i32
    %dma_wait3A_186 = tpu.memref_slice %arg7[%dma_wait3A_179, %dma_wait3A_180, %dma_wait3A_185] : memref<3x1x80xi32, #tpu.memory_space<vmem>> -> memref<1x1x80xi32, #tpu.memory_space<vmem>>
    %dma_wait3A_187 = tpu.memref_squeeze %dma_wait3A_186 : memref<1x1x80xi32, #tpu.memory_space<vmem>> -> memref<80xi32, #tpu.memory_space<vmem>>
    %dma_wait3A_188 = tpu.memref_slice %arg3[%add3A_178] : memref<320000xi32, #tpu.memory_space<hbm>> -> memref<80xi32, #tpu.memory_space<hbm>>
    tpu.wait_dma2 semaphore(%arg11 : memref<!tpu.dma_semaphore, #tpu.memory_space<semaphore_mem>>) src(%dma_wait3A_188 : memref<80xi32, #tpu.memory_space<hbm>>) dst(%dma_wait3A_187 : memref<80xi32, #tpu.memory_space<vmem>>)
    %dma_wait3A_189 = arith.constant 1 : i32
    %dma_wait3A_190 = arith.constant 0 : i32
    %dma_wait3A_191 = arith.constant 0 : i32
    %dma_wait3A_192 = tpu.memref_slice %arg8[%dma_wait3A_189, %dma_wait3A_190, %dma_wait3A_191] : memref<3x80x128xf32, #tpu.memory_space<vmem>> -> memref<1x80x128xf32, #tpu.memory_space<vmem>>
    %dma_wait3A_193 = tpu.memref_squeeze %dma_wait3A_192 : memref<1x80x128xf32, #tpu.memory_space<vmem>> -> memref<80x128xf32, #tpu.memory_space<vmem>>
    %dma_wait3A_194 = arith.constant 0 : i32
    %dma_wait3A_195 = tpu.memref_slice %arg2[%add3A_178, %dma_wait3A_194] : memref<320000x128xf32, #tpu.memory_space<hbm>> -> memref<80x128xf32, #tpu.memory_space<hbm>>
    %dma_wait3A_196 = arith.constant 0 : i32
    %dma_wait3A_197 = arith.constant 0 : i32
    %dma_wait3A_198 = tpu.memref_slice %arg8[%dma_wait3A_189, %dma_wait3A_196, %dma_wait3A_197] : memref<3x80x128xf32, #tpu.memory_space<vmem>> -> memref<1x80x128xf32, #tpu.memory_space<vmem>>
    %dma_wait3A_199 = tpu.memref_squeeze %dma_wait3A_198 : memref<1x80x128xf32, #tpu.memory_space<vmem>> -> memref<80x128xf32, #tpu.memory_space<vmem>>
    %dma_wait3A_200 = arith.constant 0 : i32
    %dma_wait3A_201 = tpu.memref_slice %arg2[%add3A_178, %dma_wait3A_200] : memref<320000x128xf32, #tpu.memory_space<hbm>> -> memref<80x128xf32, #tpu.memory_space<hbm>>
    tpu.wait_dma2 semaphore(%arg14 : memref<!tpu.dma_semaphore, #tpu.memory_space<semaphore_mem>>) src(%dma_wait3A_201 : memref<80x128xf32, #tpu.memory_space<hbm>>) dst(%dma_wait3A_199 : memref<80x128xf32, #tpu.memory_space<vmem>>)
    %dma_start3A_202 = arith.constant 1 : i32
    %dma_start3A_203 = arith.constant 1 : i32
    %dma_start3A_204 = arith.constant 0 : i32
    %dma_start3A_205 = arith.constant 0 : i32
    %dma_start3A_206 = arith.constant 0 : i32
    %dma_start3A_207 = tpu.memref_slice %arg8[%dma_start3A_202, %dma_start3A_205, %dma_start3A_206] : memref<3x80x128xf32, #tpu.memory_space<vmem>> -> memref<1x80x128xf32, #tpu.memory_space<vmem>>
    %dma_start3A_208 = tpu.memref_squeeze %dma_start3A_207 : memref<1x80x128xf32, #tpu.memory_space<vmem>> -> memref<80x128xf32, #tpu.memory_space<vmem>>
    %dma_start3A_209 = arith.constant 0 : i32
    %dma_start3A_210 = tpu.memref_slice %arg7[%dma_start3A_203, %dma_start3A_204, %dma_start3A_209] : memref<3x1x80xi32, #tpu.memory_space<vmem>> -> memref<1x1x80xi32, #tpu.memory_space<vmem>>
    %dma_start3A_211 = tpu.memref_squeeze %dma_start3A_210 : memref<1x1x80xi32, #tpu.memory_space<vmem>> -> memref<80xi32, #tpu.memory_space<vmem>>
    %dma_start3A_212 = arith.constant 0 : i32
    %dma_start3A_213 = arith.constant 0 : i32
    %dma_start3A_214 = tpu.memref_slice %arg5[%dma_start3A_212, %dma_start3A_213] : memref<10000x128xf32, #tpu.memory_space<vmem_shared>> -> memref<10000x128xf32, #tpu.memory_space<vmem_shared>>
    tpu.enqueue_indirect_dma source(%dma_start3A_208 : memref<80x128xf32, #tpu.memory_space<vmem>>) target(%dma_start3A_214 : memref<10000x128xf32, #tpu.memory_space<vmem_shared>>) offsets(%dma_start3A_211 : memref<80xi32, #tpu.memory_space<vmem>>) semaphore(%arg17 : memref<!tpu.dma_semaphore, #tpu.memory_space<semaphore_mem>>) {add = true}
    %dma_wait3A_215 = arith.constant 1 : i32
    %dma_wait3A_216 = arith.constant 1 : i32
    %dma_wait3A_217 = arith.constant 0 : i32
    %dma_wait3A_218 = arith.constant 0 : i32
    %dma_wait3A_219 = arith.constant 0 : i32
    %dma_wait3A_220 = tpu.memref_slice %arg8[%dma_wait3A_215, %dma_wait3A_218, %dma_wait3A_219] : memref<3x80x128xf32, #tpu.memory_space<vmem>> -> memref<1x80x128xf32, #tpu.memory_space<vmem>>
    %dma_wait3A_221 = tpu.memref_squeeze %dma_wait3A_220 : memref<1x80x128xf32, #tpu.memory_space<vmem>> -> memref<80x128xf32, #tpu.memory_space<vmem>>
    %dma_wait3A_222 = arith.constant 0 : i32
    %dma_wait3A_223 = tpu.memref_slice %arg7[%dma_wait3A_216, %dma_wait3A_217, %dma_wait3A_222] : memref<3x1x80xi32, #tpu.memory_space<vmem>> -> memref<1x1x80xi32, #tpu.memory_space<vmem>>
    %dma_wait3A_224 = tpu.memref_squeeze %dma_wait3A_223 : memref<1x1x80xi32, #tpu.memory_space<vmem>> -> memref<80xi32, #tpu.memory_space<vmem>>
    %dma_wait3A_225 = arith.constant 0 : i32
    %dma_wait3A_226 = arith.constant 0 : i32
    %dma_wait3A_227 = tpu.memref_slice %arg5[%dma_wait3A_225, %dma_wait3A_226] : memref<10000x128xf32, #tpu.memory_space<vmem_shared>> -> memref<10000x128xf32, #tpu.memory_space<vmem_shared>>
    tpu.wait_indirect_dma semaphore(%arg17 : memref<!tpu.dma_semaphore, #tpu.memory_space<semaphore_mem>>) src(%dma_wait3A_221 : memref<80x128xf32, #tpu.memory_space<vmem>>) dst(%dma_wait3A_227 : memref<10000x128xf32, #tpu.memory_space<vmem_shared>>)
    %add3A_228 = arith.constant 240 : i32
    %add3A_229 = arith.addi %add3A_178, %add3A_228 : i32
    %dma_start3A_230 = arith.constant 1 : i32
    %dma_start3A_231 = arith.constant 0 : i32
    %dma_start3A_232 = arith.constant 0 : i32
    %dma_start3A_233 = tpu.memref_slice %arg7[%dma_start3A_230, %dma_start3A_231, %dma_start3A_232] : memref<3x1x80xi32, #tpu.memory_space<vmem>> -> memref<1x1x80xi32, #tpu.memory_space<vmem>>
    %dma_start3A_234 = tpu.memref_squeeze %dma_start3A_233 : memref<1x1x80xi32, #tpu.memory_space<vmem>> -> memref<80xi32, #tpu.memory_space<vmem>>
    %dma_start3A_235 = tpu.memref_slice %arg3[%add3A_229] : memref<320000xi32, #tpu.memory_space<hbm>> -> memref<80xi32, #tpu.memory_space<hbm>>
    %dma_start3A_236 = arith.constant 0 : i32
    %dma_start3A_237 = tpu.memref_slice %arg7[%dma_start3A_230, %dma_start3A_231, %dma_start3A_236] : memref<3x1x80xi32, #tpu.memory_space<vmem>> -> memref<1x1x80xi32, #tpu.memory_space<vmem>>
    %dma_start3A_238 = tpu.memref_squeeze %dma_start3A_237 : memref<1x1x80xi32, #tpu.memory_space<vmem>> -> memref<80xi32, #tpu.memory_space<vmem>>
    %dma_start3A_239 = tpu.memref_slice %arg3[%add3A_229] : memref<320000xi32, #tpu.memory_space<hbm>> -> memref<80xi32, #tpu.memory_space<hbm>>
    tpu.enqueue_dma source(%dma_start3A_239 : memref<80xi32, #tpu.memory_space<hbm>>) target(%dma_start3A_238 : memref<80xi32, #tpu.memory_space<vmem>>) target_semaphore(%arg11 : memref<!tpu.dma_semaphore, #tpu.memory_space<semaphore_mem>>)
    %add3A_240 = arith.constant 240 : i32
    %add3A_241 = arith.addi %add3A_178, %add3A_240 : i32
    %dma_start3A_242 = arith.constant 1 : i32
    %dma_start3A_243 = arith.constant 0 : i32
    %dma_start3A_244 = arith.constant 0 : i32
    %dma_start3A_245 = tpu.memref_slice %arg8[%dma_start3A_242, %dma_start3A_243, %dma_start3A_244] : memref<3x80x128xf32, #tpu.memory_space<vmem>> -> memref<1x80x128xf32, #tpu.memory_space<vmem>>
    %dma_start3A_246 = tpu.memref_squeeze %dma_start3A_245 : memref<1x80x128xf32, #tpu.memory_space<vmem>> -> memref<80x128xf32, #tpu.memory_space<vmem>>
    %dma_start3A_247 = arith.constant 0 : i32
    %dma_start3A_248 = tpu.memref_slice %arg2[%add3A_241, %dma_start3A_247] : memref<320000x128xf32, #tpu.memory_space<hbm>> -> memref<80x128xf32, #tpu.memory_space<hbm>>
    %dma_start3A_249 = arith.constant 0 : i32
    %dma_start3A_250 = arith.constant 0 : i32
    %dma_start3A_251 = tpu.memref_slice %arg8[%dma_start3A_242, %dma_start3A_249, %dma_start3A_250] : memref<3x80x128xf32, #tpu.memory_space<vmem>> -> memref<1x80x128xf32, #tpu.memory_space<vmem>>
    %dma_start3A_252 = tpu.memref_squeeze %dma_start3A_251 : memref<1x80x128xf32, #tpu.memory_space<vmem>> -> memref<80x128xf32, #tpu.memory_space<vmem>>
    %dma_start3A_253 = arith.constant 0 : i32
    %dma_start3A_254 = tpu.memref_slice %arg2[%add3A_241, %dma_start3A_253] : memref<320000x128xf32, #tpu.memory_space<hbm>> -> memref<80x128xf32, #tpu.memory_space<hbm>>
    tpu.enqueue_dma source(%dma_start3A_254 : memref<80x128xf32, #tpu.memory_space<hbm>>) target(%dma_start3A_252 : memref<80x128xf32, #tpu.memory_space<vmem>>) target_semaphore(%arg14 : memref<!tpu.dma_semaphore, #tpu.memory_space<semaphore_mem>>)
    %add3A_255 = arith.constant 9760 : i32
    %add3A_256 = arith.addi %add3A, %add3A_255 : i32
    %dma_wait3A_257 = arith.constant 2 : i32
    %dma_wait3A_258 = arith.constant 0 : i32
    %dma_wait3A_259 = arith.constant 0 : i32
    %dma_wait3A_260 = tpu.memref_slice %arg7[%dma_wait3A_257, %dma_wait3A_258, %dma_wait3A_259] : memref<3x1x80xi32, #tpu.memory_space<vmem>> -> memref<1x1x80xi32, #tpu.memory_space<vmem>>
    %dma_wait3A_261 = tpu.memref_squeeze %dma_wait3A_260 : memref<1x1x80xi32, #tpu.memory_space<vmem>> -> memref<80xi32, #tpu.memory_space<vmem>>
    %dma_wait3A_262 = tpu.memref_slice %arg3[%add3A_256] : memref<320000xi32, #tpu.memory_space<hbm>> -> memref<80xi32, #tpu.memory_space<hbm>>
    %dma_wait3A_263 = arith.constant 0 : i32
    %dma_wait3A_264 = tpu.memref_slice %arg7[%dma_wait3A_257, %dma_wait3A_258, %dma_wait3A_263] : memref<3x1x80xi32, #tpu.memory_space<vmem>> -> memref<1x1x80xi32, #tpu.memory_space<vmem>>
    %dma_wait3A_265 = tpu.memref_squeeze %dma_wait3A_264 : memref<1x1x80xi32, #tpu.memory_space<vmem>> -> memref<80xi32, #tpu.memory_space<vmem>>
    %dma_wait3A_266 = tpu.memref_slice %arg3[%add3A_256] : memref<320000xi32, #tpu.memory_space<hbm>> -> memref<80xi32, #tpu.memory_space<hbm>>
    tpu.wait_dma2 semaphore(%arg12 : memref<!tpu.dma_semaphore, #tpu.memory_space<semaphore_mem>>) src(%dma_wait3A_266 : memref<80xi32, #tpu.memory_space<hbm>>) dst(%dma_wait3A_265 : memref<80xi32, #tpu.memory_space<vmem>>)
    %dma_wait3A_267 = arith.constant 2 : i32
    %dma_wait3A_268 = arith.constant 0 : i32
    %dma_wait3A_269 = arith.constant 0 : i32
    %dma_wait3A_270 = tpu.memref_slice %arg8[%dma_wait3A_267, %dma_wait3A_268, %dma_wait3A_269] : memref<3x80x128xf32, #tpu.memory_space<vmem>> -> memref<1x80x128xf32, #tpu.memory_space<vmem>>
    %dma_wait3A_271 = tpu.memref_squeeze %dma_wait3A_270 : memref<1x80x128xf32, #tpu.memory_space<vmem>> -> memref<80x128xf32, #tpu.memory_space<vmem>>
    %dma_wait3A_272 = arith.constant 0 : i32
    %dma_wait3A_273 = tpu.memref_slice %arg2[%add3A_256, %dma_wait3A_272] : memref<320000x128xf32, #tpu.memory_space<hbm>> -> memref<80x128xf32, #tpu.memory_space<hbm>>
    %dma_wait3A_274 = arith.constant 0 : i32
    %dma_wait3A_275 = arith.constant 0 : i32
    %dma_wait3A_276 = tpu.memref_slice %arg8[%dma_wait3A_267, %dma_wait3A_274, %dma_wait3A_275] : memref<3x80x128xf32, #tpu.memory_space<vmem>> -> memref<1x80x128xf32, #tpu.memory_space<vmem>>
    %dma_wait3A_277 = tpu.memref_squeeze %dma_wait3A_276 : memref<1x80x128xf32, #tpu.memory_space<vmem>> -> memref<80x128xf32, #tpu.memory_space<vmem>>
    %dma_wait3A_278 = arith.constant 0 : i32
    %dma_wait3A_279 = tpu.memref_slice %arg2[%add3A_256, %dma_wait3A_278] : memref<320000x128xf32, #tpu.memory_space<hbm>> -> memref<80x128xf32, #tpu.memory_space<hbm>>
    tpu.wait_dma2 semaphore(%arg15 : memref<!tpu.dma_semaphore, #tpu.memory_space<semaphore_mem>>) src(%dma_wait3A_279 : memref<80x128xf32, #tpu.memory_space<hbm>>) dst(%dma_wait3A_277 : memref<80x128xf32, #tpu.memory_space<vmem>>)
    %dma_start3A_280 = arith.constant 2 : i32
    %dma_start3A_281 = arith.constant 2 : i32
    %dma_start3A_282 = arith.constant 0 : i32
    %dma_start3A_283 = arith.constant 0 : i32
    %dma_start3A_284 = arith.constant 0 : i32
    %dma_start3A_285 = tpu.memref_slice %arg8[%dma_start3A_280, %dma_start3A_283, %dma_start3A_284] : memref<3x80x128xf32, #tpu.memory_space<vmem>> -> memref<1x80x128xf32, #tpu.memory_space<vmem>>
    %dma_start3A_286 = tpu.memref_squeeze %dma_start3A_285 : memref<1x80x128xf32, #tpu.memory_space<vmem>> -> memref<80x128xf32, #tpu.memory_space<vmem>>
    %dma_start3A_287 = arith.constant 0 : i32
    %dma_start3A_288 = tpu.memref_slice %arg7[%dma_start3A_281, %dma_start3A_282, %dma_start3A_287] : memref<3x1x80xi32, #tpu.memory_space<vmem>> -> memref<1x1x80xi32, #tpu.memory_space<vmem>>
    %dma_start3A_289 = tpu.memref_squeeze %dma_start3A_288 : memref<1x1x80xi32, #tpu.memory_space<vmem>> -> memref<80xi32, #tpu.memory_space<vmem>>
    %dma_start3A_290 = arith.constant 0 : i32
    %dma_start3A_291 = arith.constant 0 : i32
    %dma_start3A_292 = tpu.memref_slice %arg5[%dma_start3A_290, %dma_start3A_291] : memref<10000x128xf32, #tpu.memory_space<vmem_shared>> -> memref<10000x128xf32, #tpu.memory_space<vmem_shared>>
    tpu.enqueue_indirect_dma source(%dma_start3A_286 : memref<80x128xf32, #tpu.memory_space<vmem>>) target(%dma_start3A_292 : memref<10000x128xf32, #tpu.memory_space<vmem_shared>>) offsets(%dma_start3A_289 : memref<80xi32, #tpu.memory_space<vmem>>) semaphore(%arg18 : memref<!tpu.dma_semaphore, #tpu.memory_space<semaphore_mem>>) {add = true}
    %dma_wait3A_293 = arith.constant 2 : i32
    %dma_wait3A_294 = arith.constant 2 : i32
    %dma_wait3A_295 = arith.constant 0 : i32
    %dma_wait3A_296 = arith.constant 0 : i32
    %dma_wait3A_297 = arith.constant 0 : i32
    %dma_wait3A_298 = tpu.memref_slice %arg8[%dma_wait3A_293, %dma_wait3A_296, %dma_wait3A_297] : memref<3x80x128xf32, #tpu.memory_space<vmem>> -> memref<1x80x128xf32, #tpu.memory_space<vmem>>
    %dma_wait3A_299 = tpu.memref_squeeze %dma_wait3A_298 : memref<1x80x128xf32, #tpu.memory_space<vmem>> -> memref<80x128xf32, #tpu.memory_space<vmem>>
    %dma_wait3A_300 = arith.constant 0 : i32
    %dma_wait3A_301 = tpu.memref_slice %arg7[%dma_wait3A_294, %dma_wait3A_295, %dma_wait3A_300] : memref<3x1x80xi32, #tpu.memory_space<vmem>> -> memref<1x1x80xi32, #tpu.memory_space<vmem>>
    %dma_wait3A_302 = tpu.memref_squeeze %dma_wait3A_301 : memref<1x1x80xi32, #tpu.memory_space<vmem>> -> memref<80xi32, #tpu.memory_space<vmem>>
    %dma_wait3A_303 = arith.constant 0 : i32
    %dma_wait3A_304 = arith.constant 0 : i32
    %dma_wait3A_305 = tpu.memref_slice %arg5[%dma_wait3A_303, %dma_wait3A_304] : memref<10000x128xf32, #tpu.memory_space<vmem_shared>> -> memref<10000x128xf32, #tpu.memory_space<vmem_shared>>
    tpu.wait_indirect_dma semaphore(%arg18 : memref<!tpu.dma_semaphore, #tpu.memory_space<semaphore_mem>>) src(%dma_wait3A_299 : memref<80x128xf32, #tpu.memory_space<vmem>>) dst(%dma_wait3A_305 : memref<10000x128xf32, #tpu.memory_space<vmem_shared>>)
    %add3A_306 = arith.constant 9840 : i32
    %add3A_307 = arith.addi %add3A, %add3A_306 : i32
    %dma_wait3A_308 = arith.constant 0 : i32
    %dma_wait3A_309 = arith.constant 0 : i32
    %dma_wait3A_310 = arith.constant 0 : i32
    %dma_wait3A_311 = tpu.memref_slice %arg7[%dma_wait3A_308, %dma_wait3A_309, %dma_wait3A_310] : memref<3x1x80xi32, #tpu.memory_space<vmem>> -> memref<1x1x80xi32, #tpu.memory_space<vmem>>
    %dma_wait3A_312 = tpu.memref_squeeze %dma_wait3A_311 : memref<1x1x80xi32, #tpu.memory_space<vmem>> -> memref<80xi32, #tpu.memory_space<vmem>>
    %dma_wait3A_313 = tpu.memref_slice %arg3[%add3A_307] : memref<320000xi32, #tpu.memory_space<hbm>> -> memref<80xi32, #tpu.memory_space<hbm>>
    %dma_wait3A_314 = arith.constant 0 : i32
    %dma_wait3A_315 = tpu.memref_slice %arg7[%dma_wait3A_308, %dma_wait3A_309, %dma_wait3A_314] : memref<3x1x80xi32, #tpu.memory_space<vmem>> -> memref<1x1x80xi32, #tpu.memory_space<vmem>>
    %dma_wait3A_316 = tpu.memref_squeeze %dma_wait3A_315 : memref<1x1x80xi32, #tpu.memory_space<vmem>> -> memref<80xi32, #tpu.memory_space<vmem>>
    %dma_wait3A_317 = tpu.memref_slice %arg3[%add3A_307] : memref<320000xi32, #tpu.memory_space<hbm>> -> memref<80xi32, #tpu.memory_space<hbm>>
    tpu.wait_dma2 semaphore(%arg10 : memref<!tpu.dma_semaphore, #tpu.memory_space<semaphore_mem>>) src(%dma_wait3A_317 : memref<80xi32, #tpu.memory_space<hbm>>) dst(%dma_wait3A_316 : memref<80xi32, #tpu.memory_space<vmem>>)
    %dma_wait3A_318 = arith.constant 0 : i32
    %dma_wait3A_319 = arith.constant 0 : i32
    %dma_wait3A_320 = arith.constant 0 : i32
    %dma_wait3A_321 = tpu.memref_slice %arg8[%dma_wait3A_318, %dma_wait3A_319, %dma_wait3A_320] : memref<3x80x128xf32, #tpu.memory_space<vmem>> -> memref<1x80x128xf32, #tpu.memory_space<vmem>>
    %dma_wait3A_322 = tpu.memref_squeeze %dma_wait3A_321 : memref<1x80x128xf32, #tpu.memory_space<vmem>> -> memref<80x128xf32, #tpu.memory_space<vmem>>
    %dma_wait3A_323 = arith.constant 0 : i32
    %dma_wait3A_324 = tpu.memref_slice %arg2[%add3A_307, %dma_wait3A_323] : memref<320000x128xf32, #tpu.memory_space<hbm>> -> memref<80x128xf32, #tpu.memory_space<hbm>>
    %dma_wait3A_325 = arith.constant 0 : i32
    %dma_wait3A_326 = arith.constant 0 : i32
    %dma_wait3A_327 = tpu.memref_slice %arg8[%dma_wait3A_318, %dma_wait3A_325, %dma_wait3A_326] : memref<3x80x128xf32, #tpu.memory_space<vmem>> -> memref<1x80x128xf32, #tpu.memory_space<vmem>>
    %dma_wait3A_328 = tpu.memref_squeeze %dma_wait3A_327 : memref<1x80x128xf32, #tpu.memory_space<vmem>> -> memref<80x128xf32, #tpu.memory_space<vmem>>
    %dma_wait3A_329 = arith.constant 0 : i32
    %dma_wait3A_330 = tpu.memref_slice %arg2[%add3A_307, %dma_wait3A_329] : memref<320000x128xf32, #tpu.memory_space<hbm>> -> memref<80x128xf32, #tpu.memory_space<hbm>>
    tpu.wait_dma2 semaphore(%arg13 : memref<!tpu.dma_semaphore, #tpu.memory_space<semaphore_mem>>) src(%dma_wait3A_330 : memref<80x128xf32, #tpu.memory_space<hbm>>) dst(%dma_wait3A_328 : memref<80x128xf32, #tpu.memory_space<vmem>>)
    %dma_start3A_331 = arith.constant 0 : i32
    %dma_start3A_332 = arith.constant 0 : i32
    %dma_start3A_333 = arith.constant 0 : i32
    %dma_start3A_334 = arith.constant 0 : i32
    %dma_start3A_335 = arith.constant 0 : i32
    %dma_start3A_336 = tpu.memref_slice %arg8[%dma_start3A_331, %dma_start3A_334, %dma_start3A_335] : memref<3x80x128xf32, #tpu.memory_space<vmem>> -> memref<1x80x128xf32, #tpu.memory_space<vmem>>
    %dma_start3A_337 = tpu.memref_squeeze %dma_start3A_336 : memref<1x80x128xf32, #tpu.memory_space<vmem>> -> memref<80x128xf32, #tpu.memory_space<vmem>>
    %dma_start3A_338 = arith.constant 0 : i32
    %dma_start3A_339 = tpu.memref_slice %arg7[%dma_start3A_332, %dma_start3A_333, %dma_start3A_338] : memref<3x1x80xi32, #tpu.memory_space<vmem>> -> memref<1x1x80xi32, #tpu.memory_space<vmem>>
    %dma_start3A_340 = tpu.memref_squeeze %dma_start3A_339 : memref<1x1x80xi32, #tpu.memory_space<vmem>> -> memref<80xi32, #tpu.memory_space<vmem>>
    %dma_start3A_341 = arith.constant 0 : i32
    %dma_start3A_342 = arith.constant 0 : i32
    %dma_start3A_343 = tpu.memref_slice %arg5[%dma_start3A_341, %dma_start3A_342] : memref<10000x128xf32, #tpu.memory_space<vmem_shared>> -> memref<10000x128xf32, #tpu.memory_space<vmem_shared>>
    tpu.enqueue_indirect_dma source(%dma_start3A_337 : memref<80x128xf32, #tpu.memory_space<vmem>>) target(%dma_start3A_343 : memref<10000x128xf32, #tpu.memory_space<vmem_shared>>) offsets(%dma_start3A_340 : memref<80xi32, #tpu.memory_space<vmem>>) semaphore(%arg16 : memref<!tpu.dma_semaphore, #tpu.memory_space<semaphore_mem>>) {add = true}
    %dma_wait3A_344 = arith.constant 0 : i32
    %dma_wait3A_345 = arith.constant 0 : i32
    %dma_wait3A_346 = arith.constant 0 : i32
    %dma_wait3A_347 = arith.constant 0 : i32
    %dma_wait3A_348 = arith.constant 0 : i32
    %dma_wait3A_349 = tpu.memref_slice %arg8[%dma_wait3A_344, %dma_wait3A_347, %dma_wait3A_348] : memref<3x80x128xf32, #tpu.memory_space<vmem>> -> memref<1x80x128xf32, #tpu.memory_space<vmem>>
    %dma_wait3A_350 = tpu.memref_squeeze %dma_wait3A_349 : memref<1x80x128xf32, #tpu.memory_space<vmem>> -> memref<80x128xf32, #tpu.memory_space<vmem>>
    %dma_wait3A_351 = arith.constant 0 : i32
    %dma_wait3A_352 = tpu.memref_slice %arg7[%dma_wait3A_345, %dma_wait3A_346, %dma_wait3A_351] : memref<3x1x80xi32, #tpu.memory_space<vmem>> -> memref<1x1x80xi32, #tpu.memory_space<vmem>>
    %dma_wait3A_353 = tpu.memref_squeeze %dma_wait3A_352 : memref<1x1x80xi32, #tpu.memory_space<vmem>> -> memref<80xi32, #tpu.memory_space<vmem>>
    %dma_wait3A_354 = arith.constant 0 : i32
    %dma_wait3A_355 = arith.constant 0 : i32
    %dma_wait3A_356 = tpu.memref_slice %arg5[%dma_wait3A_354, %dma_wait3A_355] : memref<10000x128xf32, #tpu.memory_space<vmem_shared>> -> memref<10000x128xf32, #tpu.memory_space<vmem_shared>>
    tpu.wait_indirect_dma semaphore(%arg16 : memref<!tpu.dma_semaphore, #tpu.memory_space<semaphore_mem>>) src(%dma_wait3A_350 : memref<80x128xf32, #tpu.memory_space<vmem>>) dst(%dma_wait3A_356 : memref<10000x128xf32, #tpu.memory_space<vmem_shared>>)
    %add3A_357 = arith.constant 9920 : i32
    %add3A_358 = arith.addi %add3A, %add3A_357 : i32
    %dma_wait3A_359 = arith.constant 1 : i32
    %dma_wait3A_360 = arith.constant 0 : i32
    %dma_wait3A_361 = arith.constant 0 : i32
    %dma_wait3A_362 = tpu.memref_slice %arg7[%dma_wait3A_359, %dma_wait3A_360, %dma_wait3A_361] : memref<3x1x80xi32, #tpu.memory_space<vmem>> -> memref<1x1x80xi32, #tpu.memory_space<vmem>>
    %dma_wait3A_363 = tpu.memref_squeeze %dma_wait3A_362 : memref<1x1x80xi32, #tpu.memory_space<vmem>> -> memref<80xi32, #tpu.memory_space<vmem>>
    %dma_wait3A_364 = tpu.memref_slice %arg3[%add3A_358] : memref<320000xi32, #tpu.memory_space<hbm>> -> memref<80xi32, #tpu.memory_space<hbm>>
    %dma_wait3A_365 = arith.constant 0 : i32
    %dma_wait3A_366 = tpu.memref_slice %arg7[%dma_wait3A_359, %dma_wait3A_360, %dma_wait3A_365] : memref<3x1x80xi32, #tpu.memory_space<vmem>> -> memref<1x1x80xi32, #tpu.memory_space<vmem>>
    %dma_wait3A_367 = tpu.memref_squeeze %dma_wait3A_366 : memref<1x1x80xi32, #tpu.memory_space<vmem>> -> memref<80xi32, #tpu.memory_space<vmem>>
    %dma_wait3A_368 = tpu.memref_slice %arg3[%add3A_358] : memref<320000xi32, #tpu.memory_space<hbm>> -> memref<80xi32, #tpu.memory_space<hbm>>
    tpu.wait_dma2 semaphore(%arg11 : memref<!tpu.dma_semaphore, #tpu.memory_space<semaphore_mem>>) src(%dma_wait3A_368 : memref<80xi32, #tpu.memory_space<hbm>>) dst(%dma_wait3A_367 : memref<80xi32, #tpu.memory_space<vmem>>)
    %dma_wait3A_369 = arith.constant 1 : i32
    %dma_wait3A_370 = arith.constant 0 : i32
    %dma_wait3A_371 = arith.constant 0 : i32
    %dma_wait3A_372 = tpu.memref_slice %arg8[%dma_wait3A_369, %dma_wait3A_370, %dma_wait3A_371] : memref<3x80x128xf32, #tpu.memory_space<vmem>> -> memref<1x80x128xf32, #tpu.memory_space<vmem>>
    %dma_wait3A_373 = tpu.memref_squeeze %dma_wait3A_372 : memref<1x80x128xf32, #tpu.memory_space<vmem>> -> memref<80x128xf32, #tpu.memory_space<vmem>>
    %dma_wait3A_374 = arith.constant 0 : i32
    %dma_wait3A_375 = tpu.memref_slice %arg2[%add3A_358, %dma_wait3A_374] : memref<320000x128xf32, #tpu.memory_space<hbm>> -> memref<80x128xf32, #tpu.memory_space<hbm>>
    %dma_wait3A_376 = arith.constant 0 : i32
    %dma_wait3A_377 = arith.constant 0 : i32
    %dma_wait3A_378 = tpu.memref_slice %arg8[%dma_wait3A_369, %dma_wait3A_376, %dma_wait3A_377] : memref<3x80x128xf32, #tpu.memory_space<vmem>> -> memref<1x80x128xf32, #tpu.memory_space<vmem>>
    %dma_wait3A_379 = tpu.memref_squeeze %dma_wait3A_378 : memref<1x80x128xf32, #tpu.memory_space<vmem>> -> memref<80x128xf32, #tpu.memory_space<vmem>>
    %dma_wait3A_380 = arith.constant 0 : i32
    %dma_wait3A_381 = tpu.memref_slice %arg2[%add3A_358, %dma_wait3A_380] : memref<320000x128xf32, #tpu.memory_space<hbm>> -> memref<80x128xf32, #tpu.memory_space<hbm>>
    tpu.wait_dma2 semaphore(%arg14 : memref<!tpu.dma_semaphore, #tpu.memory_space<semaphore_mem>>) src(%dma_wait3A_381 : memref<80x128xf32, #tpu.memory_space<hbm>>) dst(%dma_wait3A_379 : memref<80x128xf32, #tpu.memory_space<vmem>>)
    %dma_start3A_382 = arith.constant 1 : i32
    %dma_start3A_383 = arith.constant 1 : i32
    %dma_start3A_384 = arith.constant 0 : i32
    %dma_start3A_385 = arith.constant 0 : i32
    %dma_start3A_386 = arith.constant 0 : i32
    %dma_start3A_387 = tpu.memref_slice %arg8[%dma_start3A_382, %dma_start3A_385, %dma_start3A_386] : memref<3x80x128xf32, #tpu.memory_space<vmem>> -> memref<1x80x128xf32, #tpu.memory_space<vmem>>
    %dma_start3A_388 = tpu.memref_squeeze %dma_start3A_387 : memref<1x80x128xf32, #tpu.memory_space<vmem>> -> memref<80x128xf32, #tpu.memory_space<vmem>>
    %dma_start3A_389 = arith.constant 0 : i32
    %dma_start3A_390 = tpu.memref_slice %arg7[%dma_start3A_383, %dma_start3A_384, %dma_start3A_389] : memref<3x1x80xi32, #tpu.memory_space<vmem>> -> memref<1x1x80xi32, #tpu.memory_space<vmem>>
    %dma_start3A_391 = tpu.memref_squeeze %dma_start3A_390 : memref<1x1x80xi32, #tpu.memory_space<vmem>> -> memref<80xi32, #tpu.memory_space<vmem>>
    %dma_start3A_392 = arith.constant 0 : i32
    %dma_start3A_393 = arith.constant 0 : i32
    %dma_start3A_394 = tpu.memref_slice %arg5[%dma_start3A_392, %dma_start3A_393] : memref<10000x128xf32, #tpu.memory_space<vmem_shared>> -> memref<10000x128xf32, #tpu.memory_space<vmem_shared>>
    tpu.enqueue_indirect_dma source(%dma_start3A_388 : memref<80x128xf32, #tpu.memory_space<vmem>>) target(%dma_start3A_394 : memref<10000x128xf32, #tpu.memory_space<vmem_shared>>) offsets(%dma_start3A_391 : memref<80xi32, #tpu.memory_space<vmem>>) semaphore(%arg17 : memref<!tpu.dma_semaphore, #tpu.memory_space<semaphore_mem>>) {add = true}
    %dma_wait3A_395 = arith.constant 1 : i32
    %dma_wait3A_396 = arith.constant 1 : i32
    %dma_wait3A_397 = arith.constant 0 : i32
    %dma_wait3A_398 = arith.constant 0 : i32
    %dma_wait3A_399 = arith.constant 0 : i32
    %dma_wait3A_400 = tpu.memref_slice %arg8[%dma_wait3A_395, %dma_wait3A_398, %dma_wait3A_399] : memref<3x80x128xf32, #tpu.memory_space<vmem>> -> memref<1x80x128xf32, #tpu.memory_space<vmem>>
    %dma_wait3A_401 = tpu.memref_squeeze %dma_wait3A_400 : memref<1x80x128xf32, #tpu.memory_space<vmem>> -> memref<80x128xf32, #tpu.memory_space<vmem>>
    %dma_wait3A_402 = arith.constant 0 : i32
    %dma_wait3A_403 = tpu.memref_slice %arg7[%dma_wait3A_396, %dma_wait3A_397, %dma_wait3A_402] : memref<3x1x80xi32, #tpu.memory_space<vmem>> -> memref<1x1x80xi32, #tpu.memory_space<vmem>>
    %dma_wait3A_404 = tpu.memref_squeeze %dma_wait3A_403 : memref<1x1x80xi32, #tpu.memory_space<vmem>> -> memref<80xi32, #tpu.memory_space<vmem>>
    %dma_wait3A_405 = arith.constant 0 : i32
    %dma_wait3A_406 = arith.constant 0 : i32
    %dma_wait3A_407 = tpu.memref_slice %arg5[%dma_wait3A_405, %dma_wait3A_406] : memref<10000x128xf32, #tpu.memory_space<vmem_shared>> -> memref<10000x128xf32, #tpu.memory_space<vmem_shared>>
    tpu.wait_indirect_dma semaphore(%arg17 : memref<!tpu.dma_semaphore, #tpu.memory_space<semaphore_mem>>) src(%dma_wait3A_401 : memref<80x128xf32, #tpu.memory_space<vmem>>) dst(%dma_wait3A_407 : memref<10000x128xf32, #tpu.memory_space<vmem_shared>>)
    %barrier3A_408 = arith.constant 0 : index
    tpu.barrier barrier_id(%barrier3A_408)
    %add3A_409 = arith.constant 0 : i32
    %add3A_410 = arith.addi %arg1, %add3A_409 : i32
    %lt3A = arith.constant 125 : i32
    %lt3A_411 = arith.cmpi slt, %add3A_410, %lt3A : i32
    %convert_element_type3A = arith.extui %lt3A_411 : i1 to i32
    %cond3A = arith.constant 0 : i32
    %cond3A_412 = arith.cmpi ne, %convert_element_type3A, %cond3A : i32
    scf.if %cond3A_412 {
      %mul3A_468 = arith.constant 80 : i32
      %mul3A_469 = arith.muli %add3A_410, %mul3A_468 : i32
      %mul3A_470 = arith.constant 10000 : i32
      %mul3A_471 = arith.muli %arg0, %mul3A_470 : i32
      %mul3A_472 = arith.constant 80 : i32
      %mul3A_473 = arith.muli %add3A_410, %mul3A_472 : i32
      %add3A_474 = arith.addi %mul3A_471, %mul3A_473 : i32
      %dma_start3A_475 = arith.constant 0 : i32
      %dma_start3A_476 = tpu.memref_slice %arg4[%add3A_474, %dma_start3A_475] : memref<20000x128xf32, #tpu.memory_space<hbm>> -> memref<80x128xf32, #tpu.memory_space<hbm>>
      %dma_start3A_477 = arith.constant 0 : i32
      %dma_start3A_478 = tpu.memref_slice %arg5[%mul3A_469, %dma_start3A_477] : memref<10000x128xf32, #tpu.memory_space<vmem_shared>> -> memref<80x128xf32, #tpu.memory_space<vmem_shared>>
      tpu.enqueue_dma source(%dma_start3A_478 : memref<80x128xf32, #tpu.memory_space<vmem_shared>>) target(%dma_start3A_476 : memref<80x128xf32, #tpu.memory_space<hbm>>) target_semaphore(%arg9 : memref<!tpu.dma_semaphore, #tpu.memory_space<semaphore_mem>>)
    } else {
    }
    %add3A_413 = arith.constant 16 : i32
    %add3A_414 = arith.addi %arg1, %add3A_413 : i32
    %lt3A_415 = arith.constant 125 : i32
    %lt3A_416 = arith.cmpi slt, %add3A_414, %lt3A_415 : i32
    %convert_element_type3A_417 = arith.extui %lt3A_416 : i1 to i32
    %cond3A_418 = arith.constant 0 : i32
    %cond3A_419 = arith.cmpi ne, %convert_element_type3A_417, %cond3A_418 : i32
    scf.if %cond3A_419 {
      %mul3A_468 = arith.constant 80 : i32
      %mul3A_469 = arith.muli %add3A_414, %mul3A_468 : i32
      %mul3A_470 = arith.constant 10000 : i32
      %mul3A_471 = arith.muli %arg0, %mul3A_470 : i32
      %mul3A_472 = arith.constant 80 : i32
      %mul3A_473 = arith.muli %add3A_414, %mul3A_472 : i32
      %add3A_474 = arith.addi %mul3A_471, %mul3A_473 : i32
      %dma_start3A_475 = arith.constant 0 : i32
      %dma_start3A_476 = tpu.memref_slice %arg4[%add3A_474, %dma_start3A_475] : memref<20000x128xf32, #tpu.memory_space<hbm>> -> memref<80x128xf32, #tpu.memory_space<hbm>>
      %dma_start3A_477 = arith.constant 0 : i32
      %dma_start3A_478 = tpu.memref_slice %arg5[%mul3A_469, %dma_start3A_477] : memref<10000x128xf32, #tpu.memory_space<vmem_shared>> -> memref<80x128xf32, #tpu.memory_space<vmem_shared>>
      tpu.enqueue_dma source(%dma_start3A_478 : memref<80x128xf32, #tpu.memory_space<vmem_shared>>) target(%dma_start3A_476 : memref<80x128xf32, #tpu.memory_space<hbm>>) target_semaphore(%arg9 : memref<!tpu.dma_semaphore, #tpu.memory_space<semaphore_mem>>)
    } else {
    }
    %add3A_420 = arith.constant 32 : i32
    %add3A_421 = arith.addi %arg1, %add3A_420 : i32
    %lt3A_422 = arith.constant 125 : i32
    %lt3A_423 = arith.cmpi slt, %add3A_421, %lt3A_422 : i32
    %convert_element_type3A_424 = arith.extui %lt3A_423 : i1 to i32
    %cond3A_425 = arith.constant 0 : i32
    %cond3A_426 = arith.cmpi ne, %convert_element_type3A_424, %cond3A_425 : i32
    scf.if %cond3A_426 {
      %mul3A_468 = arith.constant 80 : i32
      %mul3A_469 = arith.muli %add3A_421, %mul3A_468 : i32
      %mul3A_470 = arith.constant 10000 : i32
      %mul3A_471 = arith.muli %arg0, %mul3A_470 : i32
      %mul3A_472 = arith.constant 80 : i32
      %mul3A_473 = arith.muli %add3A_421, %mul3A_472 : i32
      %add3A_474 = arith.addi %mul3A_471, %mul3A_473 : i32
      %dma_start3A_475 = arith.constant 0 : i32
      %dma_start3A_476 = tpu.memref_slice %arg4[%add3A_474, %dma_start3A_475] : memref<20000x128xf32, #tpu.memory_space<hbm>> -> memref<80x128xf32, #tpu.memory_space<hbm>>
      %dma_start3A_477 = arith.constant 0 : i32
      %dma_start3A_478 = tpu.memref_slice %arg5[%mul3A_469, %dma_start3A_477] : memref<10000x128xf32, #tpu.memory_space<vmem_shared>> -> memref<80x128xf32, #tpu.memory_space<vmem_shared>>
      tpu.enqueue_dma source(%dma_start3A_478 : memref<80x128xf32, #tpu.memory_space<vmem_shared>>) target(%dma_start3A_476 : memref<80x128xf32, #tpu.memory_space<hbm>>) target_semaphore(%arg9 : memref<!tpu.dma_semaphore, #tpu.memory_space<semaphore_mem>>)
    } else {
    }
    %add3A_427 = arith.constant 48 : i32
    %add3A_428 = arith.addi %arg1, %add3A_427 : i32
    %lt3A_429 = arith.constant 125 : i32
    %lt3A_430 = arith.cmpi slt, %add3A_428, %lt3A_429 : i32
    %convert_element_type3A_431 = arith.extui %lt3A_430 : i1 to i32
    %cond3A_432 = arith.constant 0 : i32
    %cond3A_433 = arith.cmpi ne, %convert_element_type3A_431, %cond3A_432 : i32
    scf.if %cond3A_433 {
      %mul3A_468 = arith.constant 80 : i32
      %mul3A_469 = arith.muli %add3A_428, %mul3A_468 : i32
      %mul3A_470 = arith.constant 10000 : i32
      %mul3A_471 = arith.muli %arg0, %mul3A_470 : i32
      %mul3A_472 = arith.constant 80 : i32
      %mul3A_473 = arith.muli %add3A_428, %mul3A_472 : i32
      %add3A_474 = arith.addi %mul3A_471, %mul3A_473 : i32
      %dma_start3A_475 = arith.constant 0 : i32
      %dma_start3A_476 = tpu.memref_slice %arg4[%add3A_474, %dma_start3A_475] : memref<20000x128xf32, #tpu.memory_space<hbm>> -> memref<80x128xf32, #tpu.memory_space<hbm>>
      %dma_start3A_477 = arith.constant 0 : i32
      %dma_start3A_478 = tpu.memref_slice %arg5[%mul3A_469, %dma_start3A_477] : memref<10000x128xf32, #tpu.memory_space<vmem_shared>> -> memref<80x128xf32, #tpu.memory_space<vmem_shared>>
      tpu.enqueue_dma source(%dma_start3A_478 : memref<80x128xf32, #tpu.memory_space<vmem_shared>>) target(%dma_start3A_476 : memref<80x128xf32, #tpu.memory_space<hbm>>) target_semaphore(%arg9 : memref<!tpu.dma_semaphore, #tpu.memory_space<semaphore_mem>>)
    } else {
    }
    %add3A_434 = arith.constant 64 : i32
    %add3A_435 = arith.addi %arg1, %add3A_434 : i32
    %lt3A_436 = arith.constant 125 : i32
    %lt3A_437 = arith.cmpi slt, %add3A_435, %lt3A_436 : i32
    %convert_element_type3A_438 = arith.extui %lt3A_437 : i1 to i32
    %cond3A_439 = arith.constant 0 : i32
    %cond3A_440 = arith.cmpi ne, %convert_element_type3A_438, %cond3A_439 : i32
    scf.if %cond3A_440 {
      %mul3A_468 = arith.constant 80 : i32
      %mul3A_469 = arith.muli %add3A_435, %mul3A_468 : i32
      %mul3A_470 = arith.constant 10000 : i32
      %mul3A_471 = arith.muli %arg0, %mul3A_470 : i32
      %mul3A_472 = arith.constant 80 : i32
      %mul3A_473 = arith.muli %add3A_435, %mul3A_472 : i32
      %add3A_474 = arith.addi %mul3A_471, %mul3A_473 : i32
      %dma_start3A_475 = arith.constant 0 : i32
      %dma_start3A_476 = tpu.memref_slice %arg4[%add3A_474, %dma_start3A_475] : memref<20000x128xf32, #tpu.memory_space<hbm>> -> memref<80x128xf32, #tpu.memory_space<hbm>>
      %dma_start3A_477 = arith.constant 0 : i32
      %dma_start3A_478 = tpu.memref_slice %arg5[%mul3A_469, %dma_start3A_477] : memref<10000x128xf32, #tpu.memory_space<vmem_shared>> -> memref<80x128xf32, #tpu.memory_space<vmem_shared>>
      tpu.enqueue_dma source(%dma_start3A_478 : memref<80x128xf32, #tpu.memory_space<vmem_shared>>) target(%dma_start3A_476 : memref<80x128xf32, #tpu.memory_space<hbm>>) target_semaphore(%arg9 : memref<!tpu.dma_semaphore, #tpu.memory_space<semaphore_mem>>)
    } else {
    }
    %add3A_441 = arith.constant 80 : i32
    %add3A_442 = arith.addi %arg1, %add3A_441 : i32
    %lt3A_443 = arith.constant 125 : i32
    %lt3A_444 = arith.cmpi slt, %add3A_442, %lt3A_443 : i32
    %convert_element_type3A_445 = arith.extui %lt3A_444 : i1 to i32
    %cond3A_446 = arith.constant 0 : i32
    %cond3A_447 = arith.cmpi ne, %convert_element_type3A_445, %cond3A_446 : i32
    scf.if %cond3A_447 {
      %mul3A_468 = arith.constant 80 : i32
      %mul3A_469 = arith.muli %add3A_442, %mul3A_468 : i32
      %mul3A_470 = arith.constant 10000 : i32
      %mul3A_471 = arith.muli %arg0, %mul3A_470 : i32
      %mul3A_472 = arith.constant 80 : i32
      %mul3A_473 = arith.muli %add3A_442, %mul3A_472 : i32
      %add3A_474 = arith.addi %mul3A_471, %mul3A_473 : i32
      %dma_start3A_475 = arith.constant 0 : i32
      %dma_start3A_476 = tpu.memref_slice %arg4[%add3A_474, %dma_start3A_475] : memref<20000x128xf32, #tpu.memory_space<hbm>> -> memref<80x128xf32, #tpu.memory_space<hbm>>
      %dma_start3A_477 = arith.constant 0 : i32
      %dma_start3A_478 = tpu.memref_slice %arg5[%mul3A_469, %dma_start3A_477] : memref<10000x128xf32, #tpu.memory_space<vmem_shared>> -> memref<80x128xf32, #tpu.memory_space<vmem_shared>>
      tpu.enqueue_dma source(%dma_start3A_478 : memref<80x128xf32, #tpu.memory_space<vmem_shared>>) target(%dma_start3A_476 : memref<80x128xf32, #tpu.memory_space<hbm>>) target_semaphore(%arg9 : memref<!tpu.dma_semaphore, #tpu.memory_space<semaphore_mem>>)
    } else {
    }
    %add3A_448 = arith.constant 96 : i32
    %add3A_449 = arith.addi %arg1, %add3A_448 : i32
    %lt3A_450 = arith.constant 125 : i32
    %lt3A_451 = arith.cmpi slt, %add3A_449, %lt3A_450 : i32
    %convert_element_type3A_452 = arith.extui %lt3A_451 : i1 to i32
    %cond3A_453 = arith.constant 0 : i32
    %cond3A_454 = arith.cmpi ne, %convert_element_type3A_452, %cond3A_453 : i32
    scf.if %cond3A_454 {
      %mul3A_468 = arith.constant 80 : i32
      %mul3A_469 = arith.muli %add3A_449, %mul3A_468 : i32
      %mul3A_470 = arith.constant 10000 : i32
      %mul3A_471 = arith.muli %arg0, %mul3A_470 : i32
      %mul3A_472 = arith.constant 80 : i32
      %mul3A_473 = arith.muli %add3A_449, %mul3A_472 : i32
      %add3A_474 = arith.addi %mul3A_471, %mul3A_473 : i32
      %dma_start3A_475 = arith.constant 0 : i32
      %dma_start3A_476 = tpu.memref_slice %arg4[%add3A_474, %dma_start3A_475] : memref<20000x128xf32, #tpu.memory_space<hbm>> -> memref<80x128xf32, #tpu.memory_space<hbm>>
      %dma_start3A_477 = arith.constant 0 : i32
      %dma_start3A_478 = tpu.memref_slice %arg5[%mul3A_469, %dma_start3A_477] : memref<10000x128xf32, #tpu.memory_space<vmem_shared>> -> memref<80x128xf32, #tpu.memory_space<vmem_shared>>
      tpu.enqueue_dma source(%dma_start3A_478 : memref<80x128xf32, #tpu.memory_space<vmem_shared>>) target(%dma_start3A_476 : memref<80x128xf32, #tpu.memory_space<hbm>>) target_semaphore(%arg9 : memref<!tpu.dma_semaphore, #tpu.memory_space<semaphore_mem>>)
    } else {
    }
    %add3A_455 = arith.constant 112 : i32
    %add3A_456 = arith.addi %arg1, %add3A_455 : i32
    %lt3A_457 = arith.constant 125 : i32
    %lt3A_458 = arith.cmpi slt, %add3A_456, %lt3A_457 : i32
    %convert_element_type3A_459 = arith.extui %lt3A_458 : i1 to i32
    %cond3A_460 = arith.constant 0 : i32
    %cond3A_461 = arith.cmpi ne, %convert_element_type3A_459, %cond3A_460 : i32
    scf.if %cond3A_461 {
      %mul3A_468 = arith.constant 80 : i32
      %mul3A_469 = arith.muli %add3A_456, %mul3A_468 : i32
      %mul3A_470 = arith.constant 10000 : i32
      %mul3A_471 = arith.muli %arg0, %mul3A_470 : i32
      %mul3A_472 = arith.constant 80 : i32
      %mul3A_473 = arith.muli %add3A_456, %mul3A_472 : i32
      %add3A_474 = arith.addi %mul3A_471, %mul3A_473 : i32
      %dma_start3A_475 = arith.constant 0 : i32
      %dma_start3A_476 = tpu.memref_slice %arg4[%add3A_474, %dma_start3A_475] : memref<20000x128xf32, #tpu.memory_space<hbm>> -> memref<80x128xf32, #tpu.memory_space<hbm>>
      %dma_start3A_477 = arith.constant 0 : i32
      %dma_start3A_478 = tpu.memref_slice %arg5[%mul3A_469, %dma_start3A_477] : memref<10000x128xf32, #tpu.memory_space<vmem_shared>> -> memref<80x128xf32, #tpu.memory_space<vmem_shared>>
      tpu.enqueue_dma source(%dma_start3A_478 : memref<80x128xf32, #tpu.memory_space<vmem_shared>>) target(%dma_start3A_476 : memref<80x128xf32, #tpu.memory_space<hbm>>) target_semaphore(%arg9 : memref<!tpu.dma_semaphore, #tpu.memory_space<semaphore_mem>>)
    } else {
    }
    %scan3A_462 = arith.constant 0 : i32
    %scan3A_463 = arith.constant 0 : i32
    %scan3A_464 = arith.constant 8 : i32
    %scan3A_465 = arith.addi %scan3A_463, %scan3A_464 : i32
    %scan3A_466 = arith.constant 1 : i32
    scf.for %scan3A_468 = %scan3A_463 to %scan3A_465 step %scan3A_466  : i32 {
      %mul3A_469 = arith.constant 16 : i32
      %mul3A_470 = arith.muli %scan3A_468, %mul3A_469 : i32
      %add3A_471 = arith.addi %arg1, %mul3A_470 : i32
      %lt3A_472 = arith.constant 125 : i32
      %lt3A_473 = arith.cmpi slt, %add3A_471, %lt3A_472 : i32
      %convert_element_type3A_474 = arith.extui %lt3A_473 : i1 to i32
      %cond3A_475 = arith.constant 0 : i32
      %cond3A_476 = arith.cmpi ne, %convert_element_type3A_474, %cond3A_475 : i32
      scf.if %cond3A_476 {
        %dma_wait3A_477 = arith.constant 0 : i32
        %dma_wait3A_478 = arith.constant 0 : i32
        %dma_wait3A_479 = tpu.memref_slice %arg4[%dma_wait3A_477, %dma_wait3A_478] : memref<20000x128xf32, #tpu.memory_space<hbm>> -> memref<80x128xf32, #tpu.memory_space<hbm>>
        %dma_wait3A_480 = arith.constant 0 : i32
        %dma_wait3A_481 = arith.constant 0 : i32
        %dma_wait3A_482 = tpu.memref_slice %arg5[%dma_wait3A_480, %dma_wait3A_481] : memref<10000x128xf32, #tpu.memory_space<vmem_shared>> -> memref<80x128xf32, #tpu.memory_space<vmem_shared>>
        tpu.wait_dma2 semaphore(%arg9 : memref<!tpu.dma_semaphore, #tpu.memory_space<semaphore_mem>>) src(%dma_wait3A_482 : memref<80x128xf32, #tpu.memory_space<vmem_shared>>) dst(%dma_wait3A_479 : memref<80x128xf32, #tpu.memory_space<hbm>>)
      } else {
      }
    }
    %scan3A_467 = arith.constant 8 : i32
    return
  }
}

</mosaic_0001>

<sc_bundles>
// kernel: kernel.3.cloned.1.call-start
scs
__scs_entry_jumppad:
0x0: {  	(pc) =	sbr.rel $0x88, $3  }
0x1: {  	(tag) =	ssettag $0x0;
	lr =	simm.s32 $0x1  }
0x2: {  	[smem:$0x3F9F] =	sst lr;
	_ =	strace $0xD0000000  }
0x3: {  	_ = 	snop  }
0x4: {  	_ = 	snop  }
0x5: {  	_ = 	snop  }
0x6: {  	_ = 	snop  }
0x7: {  	_ = 	snop  }
__scs_overlays_trampoline_lowered:
0x8: {  	[smem:$0x3FAE] =	sst s0  }
0x9: {  	[smem:$0x3FAF] =	sst s1  }
0xa: {  	[smem:$0x3FB0] =	sst s2  }
0xb: {  	[smem:$0x3FB1] =	sst s3  }
0xc: {  	[smem:$0x3FB2] =	sst s4  }
0xd: {  	[smem:$0x3FB3] =	sst s5  }
0xe: {  	[smem:$0x3FB4] =	sst s6  }
0xf: {  	[smem:$0x3FB5] =	sst s7  }
0x10: {  	[smem:$0x3FB6] =	sst s8  }
0x11: {  	[smem:$0x3FB7] =	sst s9;
	s0 =	simm.s32 @!p0 $0x0  }
0x12: {  	s1 =	sld [smem:$0x3F9D];
	s0 =	simm.s32 @p0 $0x1  }
0x13: {  	[smem:$0x3FB8] =	sst s0;
	s0 =	simm.s32 @!p1 $0x0  }
0x14: {  	s2 =	sld [smem:$0x3F9C];
	s0 =	simm.s32 @p1 $0x1  }
0x15: {  	[smem:$0x3FB9] =	sst s0;
	s0 =	simm.s32 @!p2 $0x0  }
0x16: {  	s3 =	sld [smem:$0x3FDB];
	s0 =	simm.s32 @p2 $0x1  }
0x17: {  	s4 =	simm.s32 $0x1BF5;
	[smem:$0x3FBB] =	sst s0  }
0x18: {  	s0 =	sld [smem:$0x3F9E];
	_ =	swait.ge [sflag:s4], $0x0  }
0x19: {  	s7 =	sld [smem:$0x3F9F]  }
0x1a: {  	s8 =	sadd.s32 $0xFFFFE003, lr  }
0x1b: {  	s9 =	sadd.s32 $0xFFFFFEF7, lr;
	s5 =	simm.s32 $0xFFFFFFFF;
	p2 =	slt.u32 s8, $0xFFFFF086  }
0x1c: {  	p1 =	slt.u32 s9, $0xF7A;
	s5 =	simm.s32 @!p2 $0x0  }
0x1d: {  	s5 =	simm.s32 @p1 $0x1;
	p0 =	seq.s32 s7, s2  }
0x1e: {  	s7 =	smul.u32 @!p0 $0xF7A, s2;
	p2 =	seq.s32 @!p0 s5, $0x0  }
0x1f: {  	s9 =	smul.u32 $0xF7A, s1;
	s8 =	simm.s32 @!p0 $0x1BF5;
	p2 =	por !p2, p0  }
0x20: {  	[sflag:s8] =	ssyncset.s32 @!p0 $0xFFFFF086;
	s6 =	sadd.s32 @!p0 s3, s7;
	s7 =	simm.s32 @!p0 $0x108  }
0x21: {  	s3 =	sadd.s32 s3, s9;
	s6 =	sadd.s32 @!p0 $0x88, s6;
	s7 =	simm.s32 @p2 $0x1082  }
0x22: {  	[simem:s7], [sflag:s8] =	dma.local @!p0 [hbm:s6], $0xF7A  }
0x23: {  	s9 =	sor.u32 $0xD0000000, s2;
	s6 =	simm.s32 $0x108;
	_ =	swait.ge @!p0 [sflag:s8], $0x0  }
0x24: {  	s3 =	sadd.s32 $0x88, s3;
	s6 =	simm.s32 @!p1 $0x1082;
	[sflag:s4] =	ssyncset.s32 $0xFFFFF086  }
0x25: {  	[simem:s6], [sflag:s4] =	dma.local [hbm:s3], $0xF7A  }
0x26: {  	[smem:$0x3F9F] =	sst s1;
	(tag) =	ssettag s2;
	_ =	strace s9  }
0x27: {  	s1 =	sld [smem:$0x3FAF]  }
0x28: {  	s2 =	sld [smem:$0x3FB0]  }
0x29: {  	s4 =	sld [smem:$0x3FB2]  }
0x2a: {  	p0 =	seq.s32 s5, $0x0;
	s5 =	sld [smem:$0x3FB3]  }
0x2b: {  	s6 =	sld [smem:$0x3FB4]  }
0x2c: {  	s7 =	sld [smem:$0x3FB5]  }
0x2d: {  	s3 =	simm.s32 $0x108;
	s8 =	sld [smem:$0x3FB6]  }
0x2e: {  	s3 =	simm.s32 @!p0 $0x1082;
	s9 =	sld [smem:$0x3FB7]  }
0x2f: {  	lr =	sadd.s32 s0, s3;
	s0 =	sld [smem:$0x3FAE]  }
0x30: {  	s3 =	sld [smem:$0x3FB1]  }
0x31: {  	[smem:$0x3FBA] =	sst s10  }
0x32: {  	s10 =	sld [smem:$0x3FB8];
	_ =	sdelay $0x3  }
0x33: {  	p0 =	seq.s32 s10, $0x1;
	s10 =	sld [smem:$0x3FBA];
	_ =	sdelay $0x3  }
0x34: {  	[smem:$0x3FBA] =	sst s10  }
0x35: {  	s10 =	sld [smem:$0x3FB9];
	_ =	sdelay $0x3  }
0x36: {  	p1 =	seq.s32 s10, $0x1;
	s10 =	sld [smem:$0x3FBA];
	_ =	sdelay $0x3  }
0x37: {  	[smem:$0x3FBA] =	sst s10  }
0x38: {  	s10 =	sld [smem:$0x3FBB]  }
0x39: {  	_ = 	snop;
	(pc) =	sbr.ind lr, $3  }
0x3a: {  	_ = 	snop  }
0x3b: {  	_ = 	snop  }
0x3c: {  	p2 =	seq.s32 s10, $0x1;
	s10 =	sld [smem:$0x3FBA]  }
0x3d: {  	_ =	shalt  }
0x3e: {  	_ =	shalt  }
0x3f: {  	_ =	shalt  }
0x40: {  	_ =	shalt  }
0x41: {  	_ =	shalt  }
0x42: {  	_ =	shalt  }
0x43: {  	_ =	shalt  }
0x44: {  	_ =	shalt  }
0x45: {  	_ =	shalt  }
0x46: {  	_ =	shalt  }
0x47: {  	_ =	shalt  }
0x48: {  	_ =	shalt  }
0x49: {  	_ =	shalt  }
0x4a: {  	_ =	shalt  }
0x4b: {  	_ =	shalt  }
0x4c: {  	_ =	shalt  }
0x4d: {  	_ =	shalt  }
0x4e: {  	_ =	shalt  }
0x4f: {  	_ =	shalt  }
0x50: {  	_ =	shalt  }
0x51: {  	_ =	shalt  }
0x52: {  	_ =	shalt  }
0x53: {  	_ =	shalt  }
0x54: {  	_ =	shalt  }
0x55: {  	_ =	shalt  }
0x56: {  	_ =	shalt  }
0x57: {  	_ =	shalt  }
0x58: {  	_ =	shalt  }
0x59: {  	_ =	shalt  }
0x5a: {  	_ =	shalt  }
0x5b: {  	_ =	shalt  }
0x5c: {  	_ =	shalt  }
0x5d: {  	_ =	shalt  }
0x5e: {  	_ =	shalt  }
0x5f: {  	_ =	shalt  }
0x60: {  	_ =	shalt  }
0x61: {  	_ =	shalt  }
0x62: {  	_ =	shalt  }
0x63: {  	_ =	shalt  }
0x64: {  	_ =	shalt  }
0x65: {  	_ =	shalt  }
0x66: {  	_ =	shalt  }
0x67: {  	_ =	shalt  }
0x68: {  	_ =	shalt  }
0x69: {  	_ =	shalt  }
0x6a: {  	_ =	shalt  }
0x6b: {  	_ =	shalt  }
0x6c: {  	_ =	shalt  }
0x6d: {  	_ =	shalt  }
0x6e: {  	_ =	shalt  }
0x6f: {  	_ =	shalt  }
0x70: {  	_ =	shalt  }
0x71: {  	_ =	shalt  }
0x72: {  	_ =	shalt  }
0x73: {  	_ =	shalt  }
0x74: {  	_ =	shalt  }
0x75: {  	_ =	shalt  }
0x76: {  	_ =	shalt  }
0x77: {  	_ =	shalt  }
0x78: {  	_ =	shalt  }
0x79: {  	_ =	shalt  }
0x7a: {  	_ =	shalt  }
0x7b: {  	_ =	shalt  }
0x7c: {  	_ =	shalt  }
0x7d: {  	_ =	shalt  }
0x7e: {  	_ =	shalt  }
0x7f: {  	_ =	shalt  }
0x80: {  	_ =	shalt  }
0x81: {  	_ =	shalt  }
0x82: {  	_ =	shalt  }
0x83: {  	_ =	shalt  }
0x84: {  	_ =	shalt  }
0x85: {  	_ =	shalt  }
0x86: {  	_ =	shalt  }
0x87: {  	_ =	shalt  }
.Lfunc_end0:
.L_simem_size_0:
called_computation_lowered:
.L_overlay_start_0:
0x88: {  	s2 =	sld [smem:$0x3FD9]  }
0x89: {  	s3 =	sld [smem:$0x3FFE];
	_ =	sdelay $0x1  }
0x8a: {  	s1 =	srdreg.scid  }
0x8b: {  	s0 =	sand.u32 $0x1, s1  }
0x8c: {  	s17 =	sshll.u32 s0, $0xA;
	s2 =	sadd.s32 s3, s2  }
0x8d: {  	s2 =	sadd.s32 s2, s17  }
0x8e: {  	[smem:$0x3FC6] =	sst s2  }
0x8f: {  	_ = 	snop  }
0x90: {  	s2 =	sld [smem:$0x3FC9]  }
0x91: {  	s18 =	sld [smem:$0x3FD0];
	(tm) =	ssettm $0x1  }
0x92: {  	s4 =	sld [smem:$0x3FFB];
	_ =	sdelay $0x3  }
0x93: {  	_ =	strace s4  }
0x94: {  	s4 =	sld [smem:$0x3FFC];
	_ =	sdelay $0x3  }
0x95: {  	_ =	strace s4  }
0x96: {  	s4 =	sld [smem:$0x3FFD];
	_ =	sdelay $0x3  }
0x97: {  	_ =	strace s4  }
0x98: {  	_ =	strace $0x8FFFFFFF  }
0x99: {  	s19 =	sld [smem:$0x3FDB];
	_ =	sdelay $0x1  }
0x9a: {  	s5 =	simm.s32 $_scs_section_size  }
0x9b: {  	s6 =	simm.s32 $_size__tile_overlayer_lowered;
	s7 =	simm.s32 $_tile_overlayer_lowered  }
0x9c: {  	s22 =	simm.s32 $0x1BFF;
	s21 =	sshll.u32 s7, $0x1;
	s4 =	sadd.s32 s5, s19  }
0x9d: {  	s8 =	simm.s32 $0x0;
	s20 =	sshll.u32 s6, $0x1;
	s6 =	sadd.s32 s21, s4  }
0x9e: {  	[timem:s8], [sflag:s22] =	dma.local [hbm:s6], s20  }
0x9f: {  	_ =	swait.ge [sflag:s22], s20  }
0xa0: {  	s5 =	ssub.s32 $0x0, s20;
	[sflag:s22] =	ssyncset.done $0x0  }
0xa1: {  	[sflag:s22] =	ssyncadd.s32 s5;
	_ =	sdelay $0x1  }
0xa2: {  	s23 =	simm.s32 $0x1B8B  }
0xa3: {  	_ =	swait.ge [sflag:s23], $0x1  }
0xa4: {  	[sflag:s23] =	ssyncset.done $0x0  }
0xa5: {  	s25 =	simm.s32 $0x1B8E;
	s24 =	sld [smem:$0x3FFE];
	[sflag:s23] =	ssyncadd.s32 $0xFFFFFFFF  }
0xa6: {  	s26 =	simm.s32 $execute0_lowered;
	[smem:$0x3FD2] =	sst s25  }
0xa7: {  	s6 =	sshll.u32 s26, $0x1;
	_ =	strace $0x80000046;
	[dreg:$0x1] =	wrdreg $0xFFFFFFFF  }
0xa8: {  	s28 =	simm.s32 $_size_execute0_lowered;
	s4 =	sadd.s32 s4, s6;
	[dreg:$0x0] =	wrdreg $0x0  }
0xa9: {  	s6 =	sshll.u32 s28, $0x1;
	[dreg:$0x2] =	wrdreg s4  }
0xaa: {  	[dreg:$0x3] =	wrdreg s6  }
0xab: {  	[dreg:$0x4] =	wrdreg $0xC0  }
0xac: {  	_ =	task [dreg:s8], $0x5FFFF  }
0xad: {  	[dreg:$0x1] =	wrdreg $0xFFFFFFFF  }
0xae: {  	[dreg:$0x0] =	wrdreg $0x60  }
0xaf: {  	[dreg:$0x2] =	wrdreg s2  }
0xb0: {  	[dreg:$0x3] =	wrdreg s24  }
0xb1: {  	[dreg:$0x4] =	wrdreg s18  }
0xb2: {  	[dreg:$0x5] =	wrdreg $0x0  }
0xb3: {  	[dreg:$0x6] =	wrdreg $0x9  }
0xb4: {  	_ =	task.clear_ibuf [dreg:s8], $0x7FFFF;
	_ =	strace $0x90000046  }
0xb5: {  	s29 =	simm.s32 $0x9;
	_ =	strace $0x80000048  }
0xb6: {  	_ =	swait.ge [sflag:s29], $0x1  }
0xb7: {  	[sflag:s29] =	ssyncadd.s32 $0xFFFFFFFF  }
0xb8: {  	_ =	strace $0x90000048  }
0xb9: {  	_ =	sfence  }
0xba: {  	s30 =	sld [smem:$0x0];
	_ =	sdelay $0x2  }
0xbb: {  	s31 =	sshll.u32 s1, $0xD;
	s1 =	sshrl.u32 s1, $0x2  }
0xbc: {  	s3 =	sand.u32 $0x4000, s31;
	s1 =	sadd.s32 s1, s30  }
0xbd: {  	s0 =	sor.u32 s3, s0;
	s1 =	sshll.u32 s1, $0x11  }
0xbe: {  	s0 =	sor.u32 s1, s0  }
0xbf: {  	s0 =	sadd.s32 $0x8F2B, s0  }
0xc0: {  	[sflag:s0] =	ssyncadd.remote.s32 $0x1  }
0xc1: {  	_ =	sfence.sel $0xFFFF  }
0xc2: {  	[dreg:$0x0] =	wrdreg $0xFFFFFFFF;
	(pc) =	sbr.abs _section_cstart, $3  }
0xc3: {  	[dreg:$0x1] =	wrdreg $0xFFFFFFFF  }
0xc4: {  	_ =	task.clear_ibuf [dreg:s8], $0x2FFFF;
	_ =	strace $0x9FFFFFFF  }
0xc5: {  	(tm) =	ssettm $0x7FFFFFFF  }
tec
execute0_lowered:
.L_overlay_start_1:
0x0: {  	(tag) =	ssettag $0x1  }
0x1: {  	s28 =	stileid.u32  }
0x2: {  	s0 =	srdreg.scid;
	s4 =	smul.u32 $0x2710, s28  }
0x3: {  	s11 =	sand.u32 $0x1, s0;
	s13 =	smul.u32 $0x50, s28  }
0x4: {  	s2 =	smul.u32 $0x27100, s11  }
0x5: {  	s9 =	sor.u32 $0x10, s28;
	s12 =	smul.u32 $0x2710, s11  }
0x6: {  	s5 =	sor.u32 $0x30, s28;
	s14 =	smul.u32 $0x50, s9  }
0x7: {  	s6 =	sor.u32 $0x40, s28;
	s17 =	smul.u32 $0x50, s5  }
0x8: {  	s7 =	sor.u32 $0x50, s28;
	s18 =	smul.u32 $0x50, s6  }
0x9: {  	s8 =	sor.u32 $0x60, s28;
	s19 =	smul.u32 $0x50, s7  }
0xa: {  	s21 =	smul.u32 $0x50, s8  }
0xb: {  	s0 =	ssub.s32 $0x2, s11;
	s11 =	smul.u32 $0x271000, s11  }
0xc: {  	s9 =	smul.u32 $0xA000, s9  }
0xd: {  	s10 =	rddreg [dreg:$0x0];
	s1 =	simm.s32 $0x0;
	s5 =	smul.u32 $0xA000, s5  }
0xe: {  	[smem:$0x7FF] =	sst s1;
	s6 =	smul.u32 $0xA000, s6  }
0xf: {  	p1 =	sgt.u32 s28, $0xC;
	s7 =	smul.u32 $0xA000, s7;
	s3 =	sshrl.u32 s0, $0x1  }
0x10: {  	s0 =	ssub.s32 s0, s3;
	s3 =	sadd.s32 s4, s2;
	s4 =	sor.u32 $0x20, s28  }
0x11: {  	s13 =	sadd.s32 s13, s12;
	s14 =	sadd.s32 s12, s14;
	s17 =	sadd.s32 s12, s17  }
0x12: {  	s18 =	sadd.s32 s12, s18;
	s19 =	sadd.s32 s12, s19;
	s21 =	sadd.s32 s12, s21  }
0x13: {  	s9 =	sshrl.u32 s9, $0x2;
	s5 =	sshrl.u32 s5, $0x2;
	s2 =	sshll.u32 s3, $0x4  }
0x14: {  	s15 =	smul.u32 $0x50, s4;
	s16 =	sadd.s32 $0x50, s3;
	s20 =	sadd.s32 $0xA0, s3  }
0x15: {  	s23 =	sadd.s32 $0x26C0, s3;
	s4 =	smul.u32 $0xA000, s4;
	s0 =	smax.u32 s0, $0x1  }
0x16: {  	s2 =	sadd.s32 s10, s2;
	s24 =	sshll.u32 s16, $0x4;
	s26 =	sshll.u32 s23, $0x4  }
0x17: {  	[dreg:$0x6] =	wrdreg s2;
	s2 =	sadd.s32 s10, s24;
	s15 =	sadd.s32 s12, s15  }
0x18: {  	s24 =	sshll.u32 s20, $0x4;
	s26 =	sadd.s32 s10, s26;
	s20 =	sshrl.u32 s20, $0x3  }
0x19: {  	s4 =	sshrl.u32 s4, $0x2;
	[dreg:$0x7] =	wrdreg s2;
	s2 =	sor.u32 $0x70, s28  }
0x1a: {  	s24 =	sadd.s32 s10, s24;
	[dreg:$0xa] =	wrdreg s26;
	s26 =	sshll.u32 s15, $0x4  }
0x1b: {  	s15 =	sshll.u32 s17, $0x4;
	s17 =	sshll.u32 s18, $0x4;
	s22 =	smul.u32 $0x50, s2  }
0x1c: {  	s18 =	sshll.u32 s19, $0x4;
	[dreg:$0x8] =	wrdreg s24;
	s24 =	sshll.u32 s13, $0x4  }
0x1d: {  	s13 =	rddreg [dreg:$0x2];
	s12 =	sadd.s32 s12, s22;
	s22 =	sadd.s32 $0x2670, s3  }
0x1e: {  	p0 =	sgt.u32 s2, $0x7C;
	s19 =	sadd.s32 s13, s18;
	s25 =	sshll.u32 s22, $0x4  }
0x1f: {  	s2 =	smul.u32 $0xA000, s2;
	[dreg:$0x10] =	wrdreg s19;
	s25 =	sadd.s32 s10, s25  }
0x20: {  	s10 =	sadd.s32 s11, s10;
	s11 =	sadd.s32 s13, s24;
	s24 =	rddreg [dreg:$0x1]  }
0x21: {  	s18 =	sshrl.u32 s3, $0x3;
	s12 =	sshll.u32 s12, $0x4;
	[dreg:$0x9] =	wrdreg s25  }
0x22: {  	s19 =	sshrl.u32 s16, $0x3;
	s12 =	sadd.s32 s13, s12;
	[dreg:$0xb] =	wrdreg s11  }
0x23: {  	s25 =	sshll.u32 s14, $0x4;
	s14 =	sadd.s32 s13, s26;
	[dreg:$0x12] =	wrdreg s12  }
0x24: {  	s2 =	sshrl.u32 s2, $0x2;
	s26 =	smul.u32 $0x27100, s28;
	[dreg:$0xd] =	wrdreg s14  }
0x25: {  	s12 =	simm.s32 $0x2;
	s11 =	sadd.s32 s13, s25;
	s14 =	rddreg [dreg:$0x3]  }
0x26: {  	s25 =	sshll.u32 s21, $0x4;
	[dreg:$0xc] =	wrdreg s11;
	s11 =	sadd.s32 s13, s15  }
0x27: {  	s15 =	sadd.s32 s13, s25;
	s10 =	sadd.s32 s26, s10;
	s25 =	sshrl.u32 s23, $0x3  }
0x28: {  	s26 =	smul.u32 $0xA000, s28;
	s30 =	sadd.s32 s9, s14;
	s31 =	sadd.s32 s4, s14  }
0x29: {  	s16 =	sadd.s32 s5, s14;
	s2 =	sadd.s32 s2, s14;
	[dreg:$0xe] =	wrdreg s11  }
0x2a: {  	s9 =	simm.s32 $0x1B200;
	s11 =	sadd.s32 s13, s17;
	[dreg:$0x11] =	wrdreg s15  }
0x2b: {  	s17 =	sadd.s32 $0x400, s24;
	s24 =	sshrl.u32 s22, $0x3;
	[dreg:$0xf] =	wrdreg s11  }
0x2c: {  	s21 =	sadd.s32 s17, s20;
	_ =	strace $0x80000047;
	[dreg:$0x5] =	wrdreg s10  }
0x2d: {  	s22 =	sadd.s32 $0x140, s3;
	s13 =	sadd.s32 s17, s25;
	[dreg:$0x15] =	wrdreg s21  }
0x2e: {  	s15 =	sshrl.u32 s26, $0x2;
	s20 =	sshrl.u32 s7, $0x2;
	[dreg:$0x17] =	wrdreg s13  }
0x2f: {  	s26 =	sadd.s32 $0xF0, s3;
	s7 =	simm.s32 $0x18A00;
	[dreg:$0x1a] =	wrdreg s16  }
0x30: {  	s11 =	simm.s32 $0xB;
	s10 =	sadd.s32 s17, s18;
	[dreg:$0x1e] =	wrdreg s2  }
0x31: {  	s29 =	sadd.s32 s15, s14;
	s18 =	smul.u32 $0xA000, s8;
	[dreg:$0x1f] =	wrdreg s0  }
0x32: {  	s21 =	sadd.s32 $0x190, s3;
	[smem:$0x7FD] =	sst s26;
	s8 =	simm.s32 $0x16180  }
0x33: {  	s15 =	simm.s32 $0x5;
	s16 =	simm.s32 $0x50;
	[dreg:$0x19] =	wrdreg s30  }
0x34: {  	s13 =	simm.s32 $0x7;
	[dreg:$0x13] =	wrdreg s10;
	s10 =	sadd.s32 s17, s19  }
0x35: {  	s19 =	sshrl.u32 s6, $0x2;
	s23 =	sshrl.u32 s21, $0x3;
	[dreg:$0x18] =	wrdreg s29  }
0x36: {  	s6 =	simm.s32 $0x16100;
	s21 =	simm.s32 $0x9;
	[dreg:$0x14] =	wrdreg s10  }
0x37: {  	s10 =	sadd.s32 s17, s24;
	s5 =	sadd.s32 s19, s14;
	s4 =	sshrl.u32 s18, $0x2  }
0x38: {  	s24 =	sshrl.u32 s22, $0x3;
	s0 =	sadd.s32 s23, s17;
	[dreg:$0x16] =	wrdreg s10  }
0x39: {  	s18 =	simm.s32 $0x8;
	s19 =	simm.s32 $0x3;
	[dreg:$0x1b] =	wrdreg s5  }
0x3a: {  	s22 =	simm.s32 $0x4;
	s5 =	sadd.s32 s20, s14;
	[smem:$0x7FB] =	sst s0  }
0x3b: {  	s23 =	simm.s32 $0xA;
	s4 =	sadd.s32 s4, s14;
	[dreg:$0x1c] =	wrdreg s5  }
0x3c: {  	s25 =	sadd.s32 s24, s17;
	s10 =	simm.s32 $0x13880;
	[dreg:$0x1d] =	wrdreg s4  }
0x3d: {  	s20 =	simm.s32 $0x6;
	s24 =	simm.s32 $0x1;
	[smem:$0x7FC] =	sst s25  }
0x3e: {  	v0 =	vimm.f32 $0.0e+00;
	s4 =	simm.s32 $0x16080;
	s5 =	simm.s32 $0x16200;
	s25 =	simm.s32 $0x0  }
.LBB2_1:
0x3f: {  	s0 =	rddreg [dreg:$0x13]  }
0x40: {  	[tilespmem:s4], [sflag:$0x2] =	stream.linear.gather [hbm4b:s0+s1], $0x50, $0x38;
	[tilespmem:$0x1DA00] =	vst v63  }
0x41: {  	s3 =	rddreg [dreg:$0x6]  }
0x42: {  	[tilespmem:s5], [sflag:$0x5] =	stream.linear.gather [hbm4b:s3+s1], $0x2800, $0x38;
	[tilespmem:$0x1DA00] =	vst v63  }
0x43: {  	s26 =	rddreg [dreg:$0x14]  }
0x44: {  	[tilespmem:s6], [sflag:$0x3] =	stream.linear.gather [hbm4b:s26+s1], $0x50, $0x38;
	[tilespmem:$0x1DA00] =	vst v63  }
0x45: {  	s2 =	rddreg [dreg:$0x7]  }
0x46: {  	[tilespmem:s7], [sflag:$0x6] =	stream.linear.gather [hbm4b:s2+s1], $0x2800, $0x38;
	[tilespmem:$0x1DA00] =	vst v63  }
0x47: {  	s3 =	rddreg [dreg:$0x15]  }
0x48: {  	[tilespmem:s8], [sflag:$0x4] =	stream.linear.gather [hbm4b:s3+s1], $0x50, $0x38;
	[tilespmem:$0x1DA00] =	vst v63  }
0x49: {  	s26 =	rddreg [dreg:$0x8]  }
0x4a: {  	[tilespmem:s9], [sflag:$0x7] =	stream.linear.gather [hbm4b:s26+s1], $0x2800, $0x38;
	[tilespmem:$0x1DA00] =	vst v63  }
0x4b: {  	s28 =	simm.s32 $0x200;
	s26 =	simm.s32 $0x0  }
.LBB2_2:
0x4c: {  	p2 =	sne.s32 s28, $0x9E00;
	[tilespmem:s26+$0x138F0] =	vst v0  }
0x4d: {  	[tilespmem:s26+$0x13880] =	vst v0  }
0x4e: {  	[tilespmem:s26+$0x13890] =	vst v0  }
.Ltmp0:
0x4f: {  	[tilespmem:s26+$0x138A0] =	vst v0;
	(pc) =	sbr.rel @p2 .LBB2_2-.Ltmp0, $4  }
0x50: {  	[tilespmem:s26+$0x138B0] =	vst v0  }
0x51: {  	[tilespmem:s26+$0x138C0] =	vst v0  }
0x52: {  	[tilespmem:s26+$0x138D0] =	vst v0  }
0x53: {  	[tilespmem:s26+$0x138E0] =	vst v0;
	s26 =	sshra.s32 s28, $0x2;
	s28 =	sadd.s32 $0x200, s28  }
0x54: {  	[tilespmem:s26+$0x138F0] =	vst v0  }
0x55: {  	[tilespmem:s26+$0x13880] =	vst v0  }
0x56: {  	[tilespmem:s26+$0x13890] =	vst v0  }
0x57: {  	[tilespmem:s26+$0x138A0] =	vst v0  }
0x58: {  	[tilespmem:s26+$0x138B0] =	vst v0  }
0x59: {  	[tilespmem:s26+$0x138C0] =	vst v0  }
0x5a: {  	[tilespmem:s26+$0x138D0] =	vst v0  }
0x5b: {  	[tilespmem:s26+$0x138E0] =	vst v0  }
0x5c: {  	[spmem:s29] =	stream.linear.scatter [tilespmem:s10], [sflag:$0xB], $0x2800, $0x38;
	[tilespmem:$0x1DA00] =	vst v63  }
0x5d: {  	_ =	swait.ge [sflag:s11], $0x2800  }
0x5e: {  	[sflag:s11] =	ssyncset.done $0x0  }
0x5f: {  	[sflag:s11] =	ssyncadd.s32 $0xFFFFD800  }
0x60: {  	[spmem:s30] =	stream.linear.scatter [tilespmem:s10], [sflag:$0xB], $0x2800, $0x38;
	[tilespmem:$0x1DA00] =	vst v63  }
0x61: {  	_ =	swait.ge [sflag:s11], $0x2800  }
0x62: {  	[sflag:s11] =	ssyncset.done $0x0  }
0x63: {  	[sflag:s11] =	ssyncadd.s32 $0xFFFFD800  }
0x64: {  	[spmem:s31] =	stream.linear.scatter [tilespmem:s10], [sflag:$0xB], $0x2800, $0x38;
	[tilespmem:$0x1DA00] =	vst v63  }
0x65: {  	_ =	swait.ge [sflag:s11], $0x2800  }
0x66: {  	[sflag:s11] =	ssyncset.done $0x0  }
0x67: {  	s0 =	rddreg [dreg:$0x1a];
	[sflag:s11] =	ssyncadd.s32 $0xFFFFD800  }
0x68: {  	[spmem:s0] =	stream.linear.scatter [tilespmem:s10], [sflag:$0xB], $0x2800, $0x38;
	[tilespmem:$0x1DA00] =	vst v63  }
0x69: {  	_ =	swait.ge [sflag:s11], $0x2800  }
0x6a: {  	[sflag:s11] =	ssyncset.done $0x0  }
0x6b: {  	s26 =	rddreg [dreg:$0x1b];
	[sflag:s11] =	ssyncadd.s32 $0xFFFFD800  }
0x6c: {  	[spmem:s26] =	stream.linear.scatter [tilespmem:s10], [sflag:$0xB], $0x2800, $0x38;
	[tilespmem:$0x1DA00] =	vst v63  }
0x6d: {  	_ =	swait.ge [sflag:s11], $0x2800  }
0x6e: {  	[sflag:s11] =	ssyncset.done $0x0  }
0x6f: {  	s2 =	rddreg [dreg:$0x1c];
	[sflag:s11] =	ssyncadd.s32 $0xFFFFD800  }
0x70: {  	[spmem:s2] =	stream.linear.scatter [tilespmem:s10], [sflag:$0xB], $0x2800, $0x38;
	[tilespmem:$0x1DA00] =	vst v63  }
0x71: {  	_ =	swait.ge [sflag:s11], $0x2800  }
0x72: {  	[sflag:s11] =	ssyncset.done $0x0  }
0x73: {  	s26 =	rddreg [dreg:$0x1d];
	[sflag:s11] =	ssyncadd.s32 $0xFFFFD800  }
0x74: {  	[spmem:s26] =	stream.linear.scatter [tilespmem:s10], [sflag:$0xB], $0x2800, $0x38;
	[tilespmem:$0x1DA00] =	vst v63  }
0x75: {  	_ =	swait.ge [sflag:s11], $0x2800  }
0x76: {  	[sflag:s11] =	ssyncset.done $0x0  }
0x77: {  	s26 =	simm.s32 @!p0 $0x13880;
	s0 =	rddreg [dreg:$0x1e];
	[sflag:s11] =	ssyncadd.s32 $0xFFFFD800  }
0x78: {  	[spmem:s0] =	stream.linear.scatter @!p0 [tilespmem:s26], [sflag:$0xB], $0x2800, $0x38;
	[tilespmem:$0x1DA00] =	vst v63  }
0x79: {  	s26 =	simm.s32 @!p0 $0xB  }
0x7a: {  	_ =	swait.ge @!p0 [sflag:s26], $0x2800  }
0x7b: {  	[sflag:s26] =	ssyncset.done @!p0 $0x0  }
0x7c: {  	[sflag:s26] =	ssyncadd.s32 @!p0 $0xFFFFD800  }
0x7d: {  	[bflag:$0x0] =	sbarrier.arrive $0xFFFF  }
0x7e: {  	_ =	swait.ge [sflag:s12], $0x50  }
0x7f: {  	[sflag:s12] =	ssyncset.done $0x0  }
0x80: {  	[sflag:s12] =	ssyncadd.s32 $0xFFFFFFB0  }
0x81: {  	_ =	swait.ge [sflag:s15], $0x2800  }
0x82: {  	[sflag:s15] =	ssyncset.done $0x0  }
0x83: {  	[sflag:s15] =	ssyncadd.s32 $0xFFFFD800  }
0x84: {  	[spmem:s14] =	stream.indirect.scatter.add.f32 [tilespmem:s5], [sflag:$0x8], $0x80, s4, s16, $0xb8;
	[tilespmem:$0x1DA00] =	vst v63  }
0x85: {  	_ =	swait.ge [sflag:s18], $0x2800  }
0x86: {  	s30 =	sld [smem:$0x7FD];
	_ =	sdelay $0x2  }
0x87: {  	[sflag:s18] =	ssyncset.done $0x0;
	s28 =	rddreg [dreg:$0x5];
	s0 =	sshrl.u32 s30, $0x3  }
0x88: {  	[sflag:s18] =	ssyncadd.s32 $0xFFFFD800;
	s29 =	sadd.s32 $0x0, s28;
	s26 =	sadd.s32 s17, s0  }
0x89: {  	[tilespmem:s4], [sflag:$0x2] =	stream.linear.gather [hbm4b:s26+s1], $0x50, $0x38;
	[tilespmem:$0x1DA00] =	vst v63  }
0x8a: {  	s2 =	sadd.s32 $0xF00, s29  }
0x8b: {  	[tilespmem:s5], [sflag:$0x5] =	stream.linear.gather [hbm4b:s2+s1], $0x2800, $0x38;
	[tilespmem:$0x1DA00] =	vst v63  }
0x8c: {  	_ =	swait.ge [sflag:s19], $0x50  }
0x8d: {  	[sflag:s19] =	ssyncset.done $0x0  }
0x8e: {  	[sflag:s19] =	ssyncadd.s32 $0xFFFFFFB0  }
0x8f: {  	_ =	swait.ge [sflag:s20], $0x2800  }
0x90: {  	[sflag:s20] =	ssyncset.done $0x0  }
0x91: {  	[sflag:s20] =	ssyncadd.s32 $0xFFFFD800  }
0x92: {  	[spmem:s14] =	stream.indirect.scatter.add.f32 [tilespmem:s7], [sflag:$0x9], $0x80, s6, s16, $0xb8;
	[tilespmem:$0x1DA00] =	vst v63  }
0x93: {  	_ =	swait.ge [sflag:s21], $0x2800  }
0x94: {  	s2 =	sld [smem:$0x7FC]  }
0x95: {  	[sflag:s21] =	ssyncset.done $0x0  }
0x96: {  	[sflag:s21] =	ssyncadd.s32 $0xFFFFD800  }
0x97: {  	[tilespmem:s6], [sflag:$0x3] =	stream.linear.gather [hbm4b:s2+s1], $0x50, $0x38;
	[tilespmem:$0x1DA00] =	vst v63  }
0x98: {  	s0 =	sadd.s32 $0x1400, s29  }
0x99: {  	[tilespmem:s7], [sflag:$0x6] =	stream.linear.gather [hbm4b:s0+s1], $0x2800, $0x38;
	[tilespmem:$0x1DA00] =	vst v63  }
0x9a: {  	_ =	swait.ge [sflag:s22], $0x50  }
0x9b: {  	[sflag:s22] =	ssyncset.done $0x0  }
0x9c: {  	[sflag:s22] =	ssyncadd.s32 $0xFFFFFFB0  }
0x9d: {  	_ =	swait.ge [sflag:s13], $0x2800  }
0x9e: {  	[sflag:s13] =	ssyncset.done $0x0  }
0x9f: {  	[sflag:s13] =	ssyncadd.s32 $0xFFFFD800  }
0xa0: {  	[spmem:s14] =	stream.indirect.scatter.add.f32 [tilespmem:s9], [sflag:$0xA], $0x80, s8, s16, $0xb8;
	[tilespmem:$0x1DA00] =	vst v63  }
0xa1: {  	_ =	swait.ge [sflag:s23], $0x2800  }
0xa2: {  	s0 =	sld [smem:$0x7FB]  }
0xa3: {  	s3 =	smov.u32 s31;
	[sflag:s23] =	ssyncset.done $0x0  }
0xa4: {  	s31 =	sadd.s32 $0x1900, s29;
	s28 =	sadd.s32 $0xF0, s30;
	[sflag:s23] =	ssyncadd.s32 $0xFFFFD800  }
0xa5: {  	[tilespmem:s8], [sflag:$0x4] =	stream.linear.gather [hbm4b:s0+s1], $0x50, $0x38;
	[tilespmem:$0x1DA00] =	vst v63  }
0xa6: {  	s26 =	simm.s32 $0xF00;
	s30 =	sadd.s32 $0x1E, s2;
	s29 =	sadd.s32 $0x1E, s0  }
.LBB2_4:
0xa7: {  	[tilespmem:s9], [sflag:$0x7] =	stream.linear.gather [hbm4b:s31+s1], $0x2800, $0x38;
	[tilespmem:$0x1DA00] =	vst v63  }
0xa8: {  	_ =	swait.ge [sflag:s12], $0x50  }
0xa9: {  	[sflag:s12] =	ssyncset.done $0x0  }
0xaa: {  	[sflag:s12] =	ssyncadd.s32 $0xFFFFFFB0  }
0xab: {  	_ =	swait.ge [sflag:s15], $0x2800  }
0xac: {  	[sflag:s15] =	ssyncset.done $0x0  }
0xad: {  	[sflag:s15] =	ssyncadd.s32 $0xFFFFD800  }
0xae: {  	[spmem:s14] =	stream.indirect.scatter.add.f32 [tilespmem:s5], [sflag:$0x8], $0x80, s4, s16, $0xb8;
	[tilespmem:$0x1DA00] =	vst v63  }
0xaf: {  	_ =	swait.ge [sflag:s18], $0x2800  }
0xb0: {  	s31 =	smov.u32 s26;
	s0 =	sshrl.u32 s28, $0x3;
	[sflag:s18] =	ssyncset.done $0x0  }
0xb1: {  	s0 =	sadd.s32 s17, s0;
	s2 =	rddreg [dreg:$0x5];
	[sflag:s18] =	ssyncadd.s32 $0xFFFFD800  }
0xb2: {  	[tilespmem:s4], [sflag:$0x2] =	stream.linear.gather [hbm4b:s0+s1], $0x50, $0x38;
	[tilespmem:$0x1DA00] =	vst v63  }
0xb3: {  	s0 =	sadd.s32 s31, s2  }
0xb4: {  	s2 =	sadd.s32 $0xF00, s0  }
0xb5: {  	[tilespmem:s5], [sflag:$0x5] =	stream.linear.gather [hbm4b:s2+s1], $0x2800, $0x38;
	[tilespmem:$0x1DA00] =	vst v63  }
0xb6: {  	_ =	swait.ge [sflag:s19], $0x50  }
0xb7: {  	[sflag:s19] =	ssyncset.done $0x0  }
0xb8: {  	[sflag:s19] =	ssyncadd.s32 $0xFFFFFFB0  }
0xb9: {  	_ =	swait.ge [sflag:s20], $0x2800  }
0xba: {  	[sflag:s20] =	ssyncset.done $0x0  }
0xbb: {  	[sflag:s20] =	ssyncadd.s32 $0xFFFFD800  }
0xbc: {  	[spmem:s14] =	stream.indirect.scatter.add.f32 [tilespmem:s7], [sflag:$0x9], $0x80, s6, s16, $0xb8;
	[tilespmem:$0x1DA00] =	vst v63  }
0xbd: {  	_ =	swait.ge [sflag:s21], $0x2800  }
0xbe: {  	[sflag:s21] =	ssyncset.done $0x0  }
0xbf: {  	[sflag:s21] =	ssyncadd.s32 $0xFFFFD800  }
0xc0: {  	[tilespmem:s6], [sflag:$0x3] =	stream.linear.gather [hbm4b:s30+s1], $0x50, $0x38;
	[tilespmem:$0x1DA00] =	vst v63  }
0xc1: {  	s2 =	sadd.s32 $0x1400, s0  }
0xc2: {  	[tilespmem:s7], [sflag:$0x6] =	stream.linear.gather [hbm4b:s2+s1], $0x2800, $0x38;
	[tilespmem:$0x1DA00] =	vst v63  }
0xc3: {  	_ =	swait.ge [sflag:s22], $0x50  }
0xc4: {  	[sflag:s22] =	ssyncset.done $0x0  }
0xc5: {  	[sflag:s22] =	ssyncadd.s32 $0xFFFFFFB0  }
0xc6: {  	_ =	swait.ge [sflag:s13], $0x2800  }
0xc7: {  	[sflag:s13] =	ssyncset.done $0x0  }
0xc8: {  	p2 =	sne.s32 s26, $0x24900;
	[sflag:s13] =	ssyncadd.s32 $0xFFFFD800  }
0xc9: {  	[spmem:s14] =	stream.indirect.scatter.add.f32 [tilespmem:s9], [sflag:$0xA], $0x80, s8, s16, $0xb8;
	[tilespmem:$0x1DA00] =	vst v63  }
.Ltmp1:
0xca: {  	_ =	swait.ge [sflag:s23], $0x2800;
	(pc) =	sbr.rel @p2 .LBB2_4-.Ltmp1, $4  }
0xcb: {  	[sflag:s23] =	ssyncset.done $0x0  }
0xcc: {  	s26 =	sadd.s32 $0xF00, s26;
	s28 =	sadd.s32 $0xF0, s28;
	[sflag:s23] =	ssyncadd.s32 $0xFFFFD800  }
0xcd: {  	[tilespmem:s8], [sflag:$0x4] =	stream.linear.gather [hbm4b:s29+s1], $0x50, $0x38;
	[tilespmem:$0x1DA00] =	vst v63  }
0xce: {  	s31 =	sadd.s32 $0x1900, s0;
	s30 =	sadd.s32 $0x1E, s30;
	s29 =	sadd.s32 $0x1E, s29  }
0xcf: {  	[tilespmem:s9], [sflag:$0x7] =	stream.linear.gather [hbm4b:s31+s1], $0x2800, $0x38;
	[tilespmem:$0x1DA00] =	vst v63  }
0xd0: {  	_ =	swait.ge [sflag:s12], $0x50  }
0xd1: {  	[sflag:s12] =	ssyncset.done $0x0  }
0xd2: {  	[sflag:s12] =	ssyncadd.s32 $0xFFFFFFB0  }
0xd3: {  	_ =	swait.ge [sflag:s15], $0x2800  }
0xd4: {  	[sflag:s15] =	ssyncset.done $0x0  }
0xd5: {  	[sflag:s15] =	ssyncadd.s32 $0xFFFFD800  }
0xd6: {  	[spmem:s14] =	stream.indirect.scatter.add.f32 [tilespmem:s5], [sflag:$0x8], $0x80, s4, s16, $0xb8;
	[tilespmem:$0x1DA00] =	vst v63  }
0xd7: {  	_ =	swait.ge [sflag:s18], $0x2800  }
0xd8: {  	[sflag:s18] =	ssyncset.done $0x0  }
0xd9: {  	s0 =	rddreg [dreg:$0x16];
	[sflag:s18] =	ssyncadd.s32 $0xFFFFD800  }
0xda: {  	[tilespmem:s4], [sflag:$0x2] =	stream.linear.gather [hbm4b:s0+s1], $0x50, $0x38;
	[tilespmem:$0x1DA00] =	vst v63  }
0xdb: {  	s26 =	rddreg [dreg:$0x9]  }
0xdc: {  	[tilespmem:s5], [sflag:$0x5] =	stream.linear.gather [hbm4b:s26+s1], $0x2800, $0x38;
	[tilespmem:$0x1DA00] =	vst v63  }
0xdd: {  	_ =	swait.ge [sflag:s19], $0x50  }
0xde: {  	[sflag:s19] =	ssyncset.done $0x0  }
0xdf: {  	[sflag:s19] =	ssyncadd.s32 $0xFFFFFFB0  }
0xe0: {  	_ =	swait.ge [sflag:s20], $0x2800  }
0xe1: {  	[sflag:s20] =	ssyncset.done $0x0  }
0xe2: {  	[sflag:s20] =	ssyncadd.s32 $0xFFFFD800  }
0xe3: {  	[spmem:s14] =	stream.indirect.scatter.add.f32 [tilespmem:s7], [sflag:$0x9], $0x80, s6, s16, $0xb8;
	[tilespmem:$0x1DA00] =	vst v63  }
0xe4: {  	_ =	swait.ge [sflag:s21], $0x2800  }
0xe5: {  	[sflag:s21] =	ssyncset.done $0x0  }
0xe6: {  	s28 =	rddreg [dreg:$0x17];
	[sflag:s21] =	ssyncadd.s32 $0xFFFFD800  }
0xe7: {  	[tilespmem:s6], [sflag:$0x3] =	stream.linear.gather [hbm4b:s28+s1], $0x50, $0x38;
	[tilespmem:$0x1DA00] =	vst v63  }
0xe8: {  	s2 =	rddreg [dreg:$0xa]  }
0xe9: {  	[tilespmem:s7], [sflag:$0x6] =	stream.linear.gather [hbm4b:s2+s1], $0x2800, $0x38;
	[tilespmem:$0x1DA00] =	vst v63  }
0xea: {  	_ =	swait.ge [sflag:s22], $0x50  }
0xeb: {  	[sflag:s22] =	ssyncset.done $0x0  }
0xec: {  	[sflag:s22] =	ssyncadd.s32 $0xFFFFFFB0  }
0xed: {  	_ =	swait.ge [sflag:s13], $0x2800  }
0xee: {  	[sflag:s13] =	ssyncset.done $0x0  }
0xef: {  	[sflag:s13] =	ssyncadd.s32 $0xFFFFD800  }
0xf0: {  	[spmem:s14] =	stream.indirect.scatter.add.f32 [tilespmem:s9], [sflag:$0xA], $0x80, s8, s16, $0xb8;
	[tilespmem:$0x1DA00] =	vst v63  }
0xf1: {  	_ =	swait.ge [sflag:s23], $0x2800  }
0xf2: {  	[sflag:s23] =	ssyncset.done $0x0  }
0xf3: {  	[sflag:s23] =	ssyncadd.s32 $0xFFFFD800  }
0xf4: {  	_ =	swait.ge [sflag:s12], $0x50  }
0xf5: {  	[sflag:s12] =	ssyncset.done $0x0  }
0xf6: {  	[sflag:s12] =	ssyncadd.s32 $0xFFFFFFB0  }
0xf7: {  	_ =	swait.ge [sflag:s15], $0x2800  }
0xf8: {  	[sflag:s15] =	ssyncset.done $0x0  }
0xf9: {  	[sflag:s15] =	ssyncadd.s32 $0xFFFFD800  }
0xfa: {  	[spmem:s14] =	stream.indirect.scatter.add.f32 [tilespmem:s5], [sflag:$0x8], $0x80, s4, s16, $0xb8;
	[tilespmem:$0x1DA00] =	vst v63  }
0xfb: {  	_ =	swait.ge [sflag:s18], $0x2800  }
0xfc: {  	[sflag:s18] =	ssyncset.done $0x0  }
0xfd: {  	[sflag:s18] =	ssyncadd.s32 $0xFFFFD800  }
0xfe: {  	_ =	swait.ge [sflag:s19], $0x50  }
0xff: {  	[sflag:s19] =	ssyncset.done $0x0  }
0x100: {  	[sflag:s19] =	ssyncadd.s32 $0xFFFFFFB0  }
0x101: {  	_ =	swait.ge [sflag:s20], $0x2800  }
0x102: {  	[sflag:s20] =	ssyncset.done $0x0  }
0x103: {  	[sflag:s20] =	ssyncadd.s32 $0xFFFFD800  }
0x104: {  	[spmem:s14] =	stream.indirect.scatter.add.f32 [tilespmem:s7], [sflag:$0x9], $0x80, s6, s16, $0xb8;
	[tilespmem:$0x1DA00] =	vst v63  }
0x105: {  	_ =	swait.ge [sflag:s21], $0x2800  }
0x106: {  	[sflag:s21] =	ssyncset.done $0x0  }
0x107: {  	[sflag:s21] =	ssyncadd.s32 $0xFFFFD800  }
0x108: {  	s26 =	stileid.u32;
	[bflag:$0x0] =	sbarrier.arrive $0xFFFF  }
0x109: {  	s0 =	sshll.u32 s26, $0x6;
	s29 =	rddreg [dreg:$0x18]  }
0x10a: {  	s0 =	sor.u32 $0x1C01, s0;
	s26 =	rddreg [dreg:$0xb];
	s2 =	sshrl.u32 s29, $0x3  }
0x10b: {  	[hbm:s26], [sflag:s0] =	dma.local [spmem:s2], $0x500  }
0x10c: {  	s30 =	rddreg [dreg:$0x19]  }
0x10d: {  	s26 =	rddreg [dreg:$0xc];
	s28 =	sshrl.u32 s30, $0x3  }
0x10e: {  	[hbm:s26], [sflag:s0] =	dma.local [spmem:s28], $0x500  }
0x10f: {  	s31 =	smov.u32 s3;
	s3 =	sshrl.u32 s3, $0x3;
	s26 =	rddreg [dreg:$0xd]  }
0x110: {  	[hbm:s26], [sflag:s0] =	dma.local [spmem:s3], $0x500  }
0x111: {  	s2 =	rddreg [dreg:$0x1a]  }
0x112: {  	s26 =	rddreg [dreg:$0xe];
	s2 =	sshrl.u32 s2, $0x3  }
0x113: {  	[hbm:s26], [sflag:s0] =	dma.local [spmem:s2], $0x500  }
0x114: {  	s2 =	rddreg [dreg:$0x1b]  }
0x115: {  	s26 =	rddreg [dreg:$0xf];
	s2 =	sshrl.u32 s2, $0x3  }
0x116: {  	[hbm:s26], [sflag:s0] =	dma.local [spmem:s2], $0x500  }
0x117: {  	s2 =	rddreg [dreg:$0x1c]  }
0x118: {  	s26 =	rddreg [dreg:$0x10];
	s2 =	sshrl.u32 s2, $0x3  }
0x119: {  	[hbm:s26], [sflag:s0] =	dma.local [spmem:s2], $0x500  }
0x11a: {  	s2 =	rddreg [dreg:$0x1d]  }
0x11b: {  	s26 =	rddreg [dreg:$0x11];
	s2 =	sshrl.u32 s2, $0x3  }
0x11c: {  	[hbm:s26], [sflag:s0] =	dma.local [spmem:s2], $0x500  }
0x11d: {  	s2 =	rddreg [dreg:$0x1e]  }
0x11e: {  	s26 =	rddreg [dreg:$0x12];
	s2 =	sshrl.u32 @!p1 s2, $0x3  }
0x11f: {  	[hbm:s26], [sflag:s0] =	dma.local @!p1 [spmem:s2], $0x500  }
0x120: {  	_ =	swait.ge [sflag:s24], $0x500  }
0x121: {  	[sflag:s24] =	ssyncset.done $0x0  }
0x122: {  	[sflag:s24] =	ssyncadd.s32 $0xFFFFFB00  }
0x123: {  	_ =	swait.ge [sflag:s24], $0x500  }
0x124: {  	[sflag:s24] =	ssyncset.done $0x0  }
0x125: {  	[sflag:s24] =	ssyncadd.s32 $0xFFFFFB00  }
0x126: {  	_ =	swait.ge [sflag:s24], $0x500  }
0x127: {  	[sflag:s24] =	ssyncset.done $0x0  }
0x128: {  	[sflag:s24] =	ssyncadd.s32 $0xFFFFFB00  }
0x129: {  	_ =	swait.ge [sflag:s24], $0x500  }
0x12a: {  	[sflag:s24] =	ssyncset.done $0x0  }
0x12b: {  	[sflag:s24] =	ssyncadd.s32 $0xFFFFFB00  }
0x12c: {  	_ =	swait.ge [sflag:s24], $0x500  }
0x12d: {  	[sflag:s24] =	ssyncset.done $0x0  }
0x12e: {  	[sflag:s24] =	ssyncadd.s32 $0xFFFFFB00  }
0x12f: {  	_ =	swait.ge [sflag:s24], $0x500  }
0x130: {  	[sflag:s24] =	ssyncset.done $0x0  }
0x131: {  	[sflag:s24] =	ssyncadd.s32 $0xFFFFFB00  }
0x132: {  	_ =	swait.ge [sflag:s24], $0x500  }
0x133: {  	[sflag:s24] =	ssyncset.done $0x0  }
0x134: {  	s0 =	simm.s32 @!p1 $0x1;
	[sflag:s24] =	ssyncadd.s32 $0xFFFFFB00  }
0x135: {  	_ =	swait.ge @!p1 [sflag:s0], $0x500  }
0x136: {  	s25 =	sadd.s32 $0x1, s25;
	s28 =	rddreg [dreg:$0x1f]  }
0x137: {  	p2 =	sne.s32 s25, s28  }
.Ltmp2:
0x138: {  	_ = 	snop;
	(pc) =	sbr.rel @p2 .LBB2_1-.Ltmp2, $3  }
0x139: {  	_ =	sdelay $0x1  }
0x13a: {  	[sflag:s0] =	ssyncset.done @!p1 $0x0  }
0x13b: {  	[sflag:s0] =	ssyncadd.s32 @!p1 $0xFFFFFB00  }
0x13c: {  	_ =	sfence.sel $0x180000  }
0x13d: {  	[bflag:$0x0] =	sbarrier.arrive $0xFFFF  }
0x13e: {  	_ =	strace $0x90000047  }
0x13f: {  	s0 =	stileid.u32;
	[bflag:$0x2] =	sbarrier.arrive $0xFFFF  }
0x140: {  	p0 =	sne.s32 s0, $0x0;
	s0 =	rddreg [dreg:$0x4]  }
0x141: {  	s0 =	sadd.s32 @!p0 $0x100000, s0  }
0x142: {  	[sflag:s0] =	ssyncadd.tile.s32 @!p0 $0x1;
	_ =	shalt  }
.Lfunc_end2:
_tile_overlayer_lowered:
.L_overlay_start_2:
0x143: {  	(tag) =	ssettag $0x2  }
0x144: {  	s0 =	rddreg [dreg:$0x0];
	s2 =	stileid.u32  }
0x145: {  	s1 =	rddreg [dreg:$0x1];
	p0 =	sne.s32 s2, $0x0  }
0x146: {  	s3 =	rddreg [dreg:$0x2];
	[bflag:$0x3] =	sbarrier.arrive $0xFFFF;
	s2 =	simm.s32 @!p0 $0x1C0B  }
0x147: {  	[timem:s3], [sflag:s2] =	dma.local @!p0 [hbm:s0], s1  }
0x148: {  	s0 =	simm.s32 @!p0 $0xB  }
0x149: {  	_ =	swait.ge @!p0 [sflag:s0], s1  }
0x14a: {  	s1 =	ssub.s32 @!p0 $0x0, s1;
	[sflag:s0] =	ssyncset.done @!p0 $0x0  }
0x14b: {  	[sflag:s0] =	ssyncadd.s32 @!p0 s1  }
0x14c: {  	[bflag:$0x3] =	sbarrier.arrive $0xFFFF  }
0x14d: {  	_ =	shalt  }

</sc_bundles>
